<compile_context>
chip_gen: v7x
topology: tpu7x:2x2x1
jax: 0.10.2.dev20260603
libtpu: 0.0.44.dev20260713+nightly
codegen_flags: <defaults>
</compile_context>

<pallas_src>
import jax
import jax.numpy as jnp
from jax.experimental import pallas as pl
from jax.experimental.pallas import tpu as pltpu


def _gelu_exact(v):
    return 0.5 * v * (1.0 + jax.lax.erf(v * 0.7071067811865476))


def _stage_a_body(H, W, C, RA,
                  xpad_hbm, lnw, lnb, w33, c1ab, wx1, bx1, wk, bk,
                  s1t, s1b, s2t, s2b,
                  x1_out, k_out, pooled_out, xv, sem):
    i = pl.program_id(1)
    b = pl.program_id(0)
    cp = pltpu.make_async_copy(xpad_hbm.at[b, pl.ds(i * RA, RA + 4)], xv, sem)
    cp.start()
    cp.wait()
    xb = xv[...]
    u = jnp.mean(xb, axis=-1, keepdims=True)
    xc = xb - u
    var = jnp.mean(xc * xc, axis=-1, keepdims=True)
    h = xc * jax.lax.rsqrt(var + 1e-6)
    h = h * lnw[...].reshape(1, 1, C) + lnb[...].reshape(1, 1, C)
    hb = h.astype(jnp.bfloat16)

    Mc = (RA + 2) * W
    zcol = jnp.zeros((RA + 2, 1, C), jnp.bfloat16)
    acc = jnp.zeros((Mc, C), jnp.float32)
    for dy in range(3):
        hs = hb[dy:dy + RA + 2]
        for dx in range(3):
            if dx == 0:
                sh = jnp.concatenate([zcol, hs[:, :-1]], axis=1)
            elif dx == 2:
                sh = jnp.concatenate([hs[:, 1:], zcol], axis=1)
            else:
                sh = hs
            acc = acc + jnp.dot(sh.reshape(Mc, C), w33[dy * 3 + dx, :, :],
                                preferred_element_type=jnp.float32)
    acc = acc + c1ab[...]
    g = _gelu_exact(acc)
    gb = g.astype(jnp.bfloat16)

    x1pre = jnp.dot(gb, wx1[...], preferred_element_type=jnp.float32) + bx1[...]
    kv = jnp.dot(gb, wk[...], preferred_element_type=jnp.float32) + bk[...]
    k_out[0] = kv.reshape(RA + 2, W, C)[1:RA + 1].astype(jnp.bfloat16)

    x13 = x1pre.reshape(RA + 2, W, C)
    zc = jnp.zeros((RA + 2, 1, C), jnp.float32)
    xs1 = (jnp.concatenate([zc, x13[:, :-1]], axis=1) * s1t[0:1, :].reshape(1, 1, C)
           + x13 * s1t[1:2, :].reshape(1, 1, C)
           + jnp.concatenate([x13[:, 1:], zc], axis=1) * s1t[2:3, :].reshape(1, 1, C)
           + s1b[...].reshape(1, 1, C))
    r0 = i * RA - 1
    rows = jax.lax.broadcasted_iota(jnp.int32, (RA + 2, W), 0) + r0
    valid = ((rows >= 0) & (rows < H)).astype(jnp.float32)[:, :, None]
    xs1 = xs1 * valid
    y = (xs1[0:RA] * s2t[0:1, :].reshape(1, 1, C)
         + xs1[1:RA + 1] * s2t[1:2, :].reshape(1, 1, C)
         + xs1[2:RA + 2] * s2t[2:3, :].reshape(1, 1, C)
         + s2b[...].reshape(1, 1, C))
    x1f = _gelu_exact(y)
    x1_out[0] = x1f.astype(jnp.bfloat16)

    ps = jnp.sum(jnp.sum(x1f, axis=0), axis=0).reshape(1, C)
    psb = jnp.broadcast_to(ps, (8, C))

    @pl.when(i == 0)
    def _():
        pooled_out[0] = psb

    @pl.when(i != 0)
    def _():
        pooled_out[0] = pooled_out[0] + psb


def _stage_b_body(H, W, C, RB, L,
                  x1_ref, k_ref, xres_ref, pooled_ref, gate_ref,
                  w1cat, b1cat, w2cat, b2cat, w3cat, b3cat, projw, projb,
                  y_ref):
    pool = pooled_ref[0] * (1.0 / (H * W))
    logits = jnp.sum(pool * gate_ref[...], axis=1, keepdims=True)
    eidx = jax.lax.broadcasted_iota(jnp.int32, (8, 1), 0)
    validE = eidx < 3
    lm = jnp.where(validE, logits, jnp.float32(-1e30))
    mx = jnp.max(lm)
    ex = jnp.where(validE, jnp.exp(lm - mx), 0.0)
    wsm = ex / jnp.sum(ex)
    wv = jnp.where(validE, wsm, jnp.float32(1e30))
    mn = jnp.min(wv)
    ismin = (wv == mn) & validE
    didx = jnp.max(jnp.where(ismin, eidx, -1))
    wmask = jnp.where(validE & (eidx != didx), wsm, 0.0)
    w0 = wmask[0, 0]
    w1 = wmask[1, 0]
    w2 = wmask[2, 0]
    i14 = jax.lax.broadcasted_iota(jnp.int32, (1, L), 1)
    m14 = jnp.where(i14 < 2, w0, jnp.where(i14 < 6, w1, w2))
    bc3 = w0 * b3cat[0:1, :] + w1 * b3cat[1:2, :] + w2 * b3cat[2:3, :]

    M = RB * W
    x1b = x1_ref[0].reshape(M, C)
    kb = k_ref[0].reshape(M, C)
    A = jnp.dot(x1b, w1cat[...], preferred_element_type=jnp.float32) + b1cat[...]
    Bm = jnp.dot(kb, w2cat[...], preferred_element_type=jnp.float32) + b2cat[...]
    t = (A * Bm) * m14
    uacc = (x1b.astype(jnp.float32)
            + jnp.dot(t.astype(jnp.bfloat16), w3cat[...],
                      preferred_element_type=jnp.float32) + bc3)
    out2 = jnp.dot(uacc.astype(jnp.bfloat16), projw[...],
                   preferred_element_type=jnp.float32) + projb[...]
    y_ref[0] = out2.reshape(RB, W, C) + xres_ref[0]


def kernel(x, ln_w, ln_b, c1a_w, c1a_b, c1b_w, c1b_b, s1_w, s1_b, s2_w, s2_b,
           gate_w, e0_c1_w, e0_c1_b, e0_c2_w, e0_c2_b, e0_c3_w, e0_c3_b,
           e1_c1_w, e1_c1_b, e1_c2_w, e1_c2_b, e1_c3_w, e1_c3_b,
           e2_c1_w, e2_c1_b, e2_c2_w, e2_c2_b, e2_c3_w, e2_c3_b,
           proj_w, proj_b):
    B, C, H, W = x.shape
    bf16 = jnp.bfloat16
    RA = 16 if H % 16 == 0 else H
    RB = 16 if H % 16 == 0 else H
    L = e0_c1_w.shape[0] + e1_c1_w.shape[0] + e2_c1_w.shape[0]

    x_nhwc = jnp.transpose(x, (0, 2, 3, 1))
    x_pad = jnp.pad(x_nhwc, ((0, 0), (2, 2), (0, 0), (0, 0)))

    lnw2 = ln_w.reshape(1, C)
    lnb2 = ln_b.reshape(1, C)
    w33 = jnp.transpose(c1a_w, (2, 3, 1, 0)).reshape(9, C, C).astype(bf16)
    c1ab = c1a_b.reshape(1, C)
    wsplit = c1b_w[:, :, 0, 0]
    wx1 = wsplit[:C].T.astype(bf16)
    wk = wsplit[C:].T.astype(bf16)
    bx1 = c1b_b[:C].reshape(1, C)
    bk = c1b_b[C:].reshape(1, C)
    s1t = s1_w[:, 0, 0, :].T
    s2t = s2_w[:, 0, :, 0].T
    s1b2 = s1_b.reshape(1, C)
    s2b2 = s2_b.reshape(1, C)

    gate_pad = jnp.zeros((8, C), jnp.float32).at[:gate_w.shape[0]].set(gate_w)
    w1cat = jnp.concatenate(
        [e0_c1_w[:, :, 0, 0], e1_c1_w[:, :, 0, 0], e2_c1_w[:, :, 0, 0]], 0
    ).T.astype(bf16)
    b1cat = jnp.concatenate([e0_c1_b, e1_c1_b, e2_c1_b]).reshape(1, L)
    w2cat = jnp.concatenate(
        [e0_c2_w[:, :, 0, 0], e1_c2_w[:, :, 0, 0], e2_c2_w[:, :, 0, 0]], 0
    ).T.astype(bf16)
    b2cat = jnp.concatenate([e0_c2_b, e1_c2_b, e2_c2_b]).reshape(1, L)
    w3cat = jnp.concatenate(
        [e0_c3_w[:, :, 0, 0], e1_c3_w[:, :, 0, 0], e2_c3_w[:, :, 0, 0]], 1
    ).T.astype(bf16)
    b3cat = jnp.stack([e0_c3_b, e1_c3_b, e2_c3_b])
    projw2 = proj_w[:, :, 0, 0].T.astype(bf16)
    projb2 = proj_b.reshape(1, C)

    def full(arr):
        nd = arr.ndim
        return pl.BlockSpec(arr.shape, lambda bi, ii, _n=nd: (0,) * _n)

    import functools
    body_a = functools.partial(_stage_a_body, H, W, C, RA)
    x1s, kk, pooled = pl.pallas_call(
        body_a,
        grid=(B, H // RA),
        in_specs=[
            pl.BlockSpec(memory_space=pltpu.MemorySpace.HBM),
            full(lnw2), full(lnb2), full(w33), full(c1ab), full(wx1),
            full(bx1), full(wk), full(bk), full(s1t), full(s1b2),
            full(s2t), full(s2b2),
        ],
        out_specs=[
            pl.BlockSpec((1, RA, W, C), lambda b, i: (b, i, 0, 0)),
            pl.BlockSpec((1, RA, W, C), lambda b, i: (b, i, 0, 0)),
            pl.BlockSpec((1, 8, C), lambda b, i: (b, 0, 0)),
        ],
        out_shape=[
            jax.ShapeDtypeStruct((B, H, W, C), bf16),
            jax.ShapeDtypeStruct((B, H, W, C), bf16),
            jax.ShapeDtypeStruct((B, 8, C), jnp.float32),
        ],
        scratch_shapes=[
            pltpu.VMEM((RA + 4, W, C), jnp.float32),
            pltpu.SemaphoreType.DMA,
        ],
        compiler_params=pltpu.CompilerParams(
            dimension_semantics=("arbitrary", "arbitrary")),
    )(x_pad, lnw2, lnb2, w33, c1ab, wx1, bx1, wk, bk, s1t, s1b2, s2t, s2b2)

    body_b = functools.partial(_stage_b_body, H, W, C, RB, L)
    y = pl.pallas_call(
        body_b,
        grid=(B, H // RB),
        in_specs=[
            pl.BlockSpec((1, RB, W, C), lambda b, i: (b, i, 0, 0)),
            pl.BlockSpec((1, RB, W, C), lambda b, i: (b, i, 0, 0)),
            pl.BlockSpec((1, RB, W, C), lambda b, i: (b, i, 0, 0)),
            pl.BlockSpec((1, 8, C), lambda b, i: (b, 0, 0)),
            full(gate_pad), full(w1cat), full(b1cat), full(w2cat),
            full(b2cat), full(w3cat), full(b3cat), full(projw2), full(projb2),
        ],
        out_specs=pl.BlockSpec((1, RB, W, C), lambda b, i: (b, i, 0, 0)),
        out_shape=jax.ShapeDtypeStruct((B, H, W, C), jnp.float32),
        compiler_params=pltpu.CompilerParams(
            dimension_semantics=("arbitrary", "arbitrary")),
    )(x1s, kk, x_nhwc, pooled, gate_pad, w1cat, b1cat, w2cat, b2cat,
      w3cat, b3cat, projw2, projb2)

    return jnp.transpose(y, (0, 3, 1, 2))

# --- scband reference (transcript-rebuilt; emitter-appended) ---
"""Pipeline reference for scband-mmo-eb-33655363731936 (READ-ONLY COPY).

The authoritative reference and input builder live on the scoring server;
editing this copy changes nothing except your own understanding.
"""

import jax, jax.numpy as jnp
import numpy as np

B = 2
C = 96
E = 3
TOPK = 2
H = 224
W = 224
LOW = [2, 4, 8]


def _conv(x, w, b, padding, groups=1):
    y = jax.lax.conv_general_dilated(x, w, window_strides=(1, 1), padding=padding,
                                     dimension_numbers=('NCHW', 'OIHW', 'NCHW'),
                                     feature_group_count=groups)
    return y + b[None, :, None, None]


def setup_inputs(seed: int = 0):
    key = jax.random.key(seed)
    ks = jax.random.split(key, 40)
    d = {}
    d['x'] = jax.random.normal(ks[0], (B, C, H, W), dtype=jnp.float32)
    d['ln_w'] = jnp.ones((C,), jnp.float32)
    d['ln_b'] = jnp.zeros((C,), jnp.float32)
    d['c1a_w'] = jax.random.normal(ks[1], (C, C, 3, 3), jnp.float32) * 0.02
    d['c1a_b'] = jnp.zeros((C,), jnp.float32)
    d['c1b_w'] = jax.random.normal(ks[2], (2 * C, C, 1, 1), jnp.float32) * 0.02
    d['c1b_b'] = jnp.zeros((2 * C,), jnp.float32)
    d['s1_w'] = jax.random.normal(ks[3], (C, 1, 1, 3), jnp.float32) * 0.1
    d['s1_b'] = jnp.zeros((C,), jnp.float32)
    d['s2_w'] = jax.random.normal(ks[4], (C, 1, 3, 1), jnp.float32) * 0.1
    d['s2_b'] = jnp.zeros((C,), jnp.float32)
    d['gate_w'] = jax.random.normal(ks[5], (E, C), jnp.float32) * 0.02
    kidx = 6
    for i in range(E):
        low = LOW[i]
        d['e%d_c1_w' % i] = jax.random.normal(ks[kidx], (low, C, 1, 1), jnp.float32) * 0.05; kidx += 1
        d['e%d_c1_b' % i] = jnp.zeros((low,), jnp.float32)
        d['e%d_c2_w' % i] = jax.random.normal(ks[kidx], (low, C, 1, 1), jnp.float32) * 0.05; kidx += 1
        d['e%d_c2_b' % i] = jnp.zeros((low,), jnp.float32)
        d['e%d_c3_w' % i] = jax.random.normal(ks[kidx], (C, low, 1, 1), jnp.float32) * 0.05; kidx += 1
        d['e%d_c3_b' % i] = jnp.zeros((C,), jnp.float32)
    d['proj_w'] = jax.random.normal(ks[kidx], (C, C, 1, 1), jnp.float32) * 0.02
    d['proj_b'] = jnp.zeros((C,), jnp.float32)
    return d


def _forward(x, ln_w, ln_b, c1a_w, c1a_b, c1b_w, c1b_b, s1_w, s1_b, s2_w, s2_b,
             gate_w, eparams, proj_w, proj_b):
    res = x
    # LayerNorm2d channels_first
    u = x.mean(axis=1, keepdims=True)
    s = ((x - u) ** 2).mean(axis=1, keepdims=True)
    h = (x - u) / jnp.sqrt(s + 1e-6)
    h = ln_w[None, :, None, None] * h + ln_b[None, :, None, None]
    # WMoE conv_1: 3x3 conv -> GELU -> 1x1 conv to 2C
    h = _conv(h, c1a_w, c1a_b, ((1, 1), (1, 1)))
    h = jax.nn.gelu(h, approximate=False)
    h = _conv(h, c1b_w, c1b_b, ((0, 0), (0, 0)))
    x1, k = jnp.split(h, 2, axis=1)
    # striped depthwise conv (1,3) then (3,1), then GELU
    x1 = _conv(x1, s1_w, s1_b, ((0, 0), (1, 1)), groups=C)
    x1 = _conv(x1, s2_w, s2_b, ((1, 1), (0, 0)), groups=C)
    x1 = jax.nn.gelu(x1, approximate=False)
    # Router: global avg pool -> linear (no bias)
    pooled = x1.mean(axis=(2, 3))
    logits = pooled @ gate_w.T
    weights = jax.nn.softmax(logits.astype(jnp.float32), axis=1).astype(x1.dtype)
    topk_w, topk_idx = jax.lax.top_k(weights, TOPK)
    bsz = weights.shape[0]
    mask = jnp.zeros_like(weights).at[jnp.arange(bsz)[:, None], topk_idx].set(topk_w)
    # training-mode dense MoE: out = x + sum_i expert_i(x, k) * mask[:, i]
    out = x1
    for i in range(E):
        c1w, c1b_, c2w, c2b_, c3w, c3b_ = eparams[6 * i: 6 * i + 6]
        t = _conv(k, c2w, c2b_, ((0, 0), (0, 0))) * _conv(x1, c1w, c1b_, ((0, 0), (0, 0)))
        t = _conv(t, c3w, c3b_, ((0, 0), (0, 0)))
        out = out + t * mask[:, i][:, None, None, None]
    out = _conv(out, proj_w, proj_b, ((0, 0), (0, 0)))
    return out + res


def reference(x, ln_w, ln_b, c1a_w, c1a_b, c1b_w, c1b_b, s1_w, s1_b, s2_w, s2_b, gate_w,
              e0_c1_w, e0_c1_b, e0_c2_w, e0_c2_b, e0_c3_w, e0_c3_b,
              e1_c1_w, e1_c1_b, e1_c2_w, e1_c2_b, e1_c3_w, e1_c3_b,
              e2_c1_w, e2_c1_b, e2_c2_w, e2_c2_b, e2_c3_w, e2_c3_b,
              proj_w, proj_b):
    eparams = (e0_c1_w, e0_c1_b, e0_c2_w, e0_c2_b, e0_c3_w, e0_c3_b,
               e1_c1_w, e1_c1_b, e1_c2_w, e1_c2_b, e1_c3_w, e1_c3_b,
               e2_c1_w, e2_c1_b, e2_c2_w, e2_c2_b, e2_c3_w, e2_c3_b)
    return _forward(x, ln_w, ln_b, c1a_w, c1a_b, c1b_w, c1b_b, s1_w, s1_b, s2_w, s2_b,
                    gate_w, eparams, proj_w, proj_b)

if __name__ == "__main__":
    import jax
    _d = setup_inputs()
    print(jax.jit(kernel)(*tuple(_d.values())))

</pallas_src>

<mosaic_0001>
module attributes {stable_mosaic.version = 14 : i64} {
  func.func @_stage_b_body(%arg0: i32, %arg1: i32, %arg2: memref<1x16x224x96xbf16, #tpu.memory_space<vmem>>, %arg3: memref<1x16x224x96xbf16, #tpu.memory_space<vmem>>, %arg4: memref<1x16x224x96xf32, #tpu.memory_space<vmem>>, %arg5: memref<1x8x96xf32, #tpu.memory_space<vmem>>, %arg6: memref<8x96xf32, #tpu.memory_space<vmem>>, %arg7: memref<96x14xbf16, #tpu.memory_space<vmem>>, %arg8: memref<1x14xf32, #tpu.memory_space<vmem>>, %arg9: memref<96x14xbf16, #tpu.memory_space<vmem>>, %arg10: memref<1x14xf32, #tpu.memory_space<vmem>>, %arg11: memref<14x96xbf16, #tpu.memory_space<vmem>>, %arg12: memref<3x96xf32, #tpu.memory_space<vmem>>, %arg13: memref<96x96xbf16, #tpu.memory_space<vmem>>, %arg14: memref<1x96xf32, #tpu.memory_space<vmem>>, %arg15: memref<1x16x224x96xf32, #tpu.memory_space<vmem>>) attributes {dimension_semantics = [#tpu.dimension_semantics<arbitrary>, #tpu.dimension_semantics<arbitrary>], iteration_bounds = array<i64: 2, 14>, scalar_prefetch = 0 : i64, scratch_operands = 0 : i64, tpu.core_type = #tpu.core_type<tc>, window_params = [{transform_indices = @transform_0, window_bounds = array<i64: 1, 16, 224, 96>}, {transform_indices = @transform_1, window_bounds = array<i64: 1, 16, 224, 96>}, {transform_indices = @transform_2, window_bounds = array<i64: 1, 16, 224, 96>}, {transform_indices = @transform_3, window_bounds = array<i64: 1, 8, 96>}, {pipeline_mode = #tpu.pipeline_mode<synchronous>, transform_indices = @transform_4, window_bounds = array<i64: 8, 96>}, {pipeline_mode = #tpu.pipeline_mode<synchronous>, transform_indices = @transform_5, window_bounds = array<i64: 96, 14>}, {pipeline_mode = #tpu.pipeline_mode<synchronous>, transform_indices = @transform_6, window_bounds = array<i64: 1, 14>}, {pipeline_mode = #tpu.pipeline_mode<synchronous>, transform_indices = @transform_7, window_bounds = array<i64: 96, 14>}, {pipeline_mode = #tpu.pipeline_mode<synchronous>, transform_indices = @transform_8, window_bounds = array<i64: 1, 14>}, {pipeline_mode = #tpu.pipeline_mode<synchronous>, transform_indices = @transform_9, window_bounds = array<i64: 14, 96>}, {pipeline_mode = #tpu.pipeline_mode<synchronous>, transform_indices = @transform_10, window_bounds = array<i64: 3, 96>}, {pipeline_mode = #tpu.pipeline_mode<synchronous>, transform_indices = @transform_11, window_bounds = array<i64: 96, 96>}, {pipeline_mode = #tpu.pipeline_mode<synchronous>, transform_indices = @transform_12, window_bounds = array<i64: 1, 96>}, {transform_indices = @transform_13, window_bounds = array<i64: 1, 16, 224, 96>}]} {
    %get3A = arith.constant 0 : index
    %get3A_0 = arith.constant 0 : index
    %get3A_1 = arith.constant 0 : index
    %get3A_2 = vector.load %arg5[%get3A, %get3A_0, %get3A_1] : memref<1x8x96xf32, #tpu.memory_space<vmem>>, vector<1x8x96xf32>
    %get3A_3 = vector.shape_cast %get3A_2 : vector<1x8x96xf32> to vector<8x96xf32>
    %mul3A = arith.constant 1.99298465E-5 : f32
    %mul3A_4 = vector.broadcast %mul3A : f32 to vector<8x96xf32>
    %mul3A_5 = arith.mulf %get3A_3, %mul3A_4 : vector<8x96xf32>
    %get3A_6 = arith.constant 0 : index
    %get3A_7 = arith.constant 0 : index
    %get3A_8 = vector.load %arg6[%get3A_6, %get3A_7] : memref<8x96xf32, #tpu.memory_space<vmem>>, vector<8x96xf32>
    %mul3A_9 = arith.mulf %mul3A_5, %get3A_8 : vector<8x96xf32>
    %reduce_sum3A = arith.constant dense<0.000000e+00> : vector<8xf32>
    %reduce_sum3A_10 = vector.multi_reduction <add>, %mul3A_9, %reduce_sum3A [1] : vector<8x96xf32> to vector<8xf32>
    %broadcast_in_dim3A = vector.shape_cast %reduce_sum3A_10 : vector<8xf32> to vector<8x1xf32>
    %iota3A = tpu.iota {dimensions = array<i32: 0>} : vector<8x1xi32>
    %lt3A = arith.constant 3 : i32
    %lt3A_11 = vector.broadcast %lt3A : i32 to vector<8x1xi32>
    %lt3A_12 = arith.cmpi slt, %iota3A, %lt3A_11 : vector<8x1xi32>
    %jit3A = arith.constant -1.000000e+30 : f32
    %broadcast_in_dim3A_13 = vector.broadcast %jit3A : f32 to vector<8x1xf32>
    %select_n3A = arith.select %lt3A_12, %broadcast_in_dim3A, %broadcast_in_dim3A_13 : vector<8x1xi1>, vector<8x1xf32>
    %reduce_max3A = vector.shape_cast %select_n3A : vector<8x1xf32> to vector<1x8x1xf32>
    %reduce_max3A_14 = arith.constant dense<0xFF800000> : vector<1xf32>
    %reduce_max3A_15 = vector.multi_reduction <maximumf>, %reduce_max3A, %reduce_max3A_14 [1, 2] : vector<1x8x1xf32> to vector<1xf32>
    %reduce_max3A_16 = vector.shape_cast %reduce_max3A_15 : vector<1xf32> to vector<1x1x1xf32>
    %reduce_max3A_17 = vector.extract %reduce_max3A_16[0, 0, 0] : f32 from vector<1x1x1xf32>
    %sub3A = vector.broadcast %reduce_max3A_17 : f32 to vector<8x1xf32>
    %sub3A_18 = arith.subf %select_n3A, %sub3A : vector<8x1xf32>
    %exp3A = math.exp %sub3A_18 : vector<8x1xf32>
    %jit3A_19 = arith.constant 0.000000e+00 : f32
    %broadcast_in_dim3A_20 = vector.broadcast %jit3A_19 : f32 to vector<8x1xf32>
    %select_n3A_21 = arith.select %lt3A_12, %exp3A, %broadcast_in_dim3A_20 : vector<8x1xi1>, vector<8x1xf32>
    %reduce_sum3A_22 = vector.shape_cast %select_n3A_21 : vector<8x1xf32> to vector<1x8x1xf32>
    %reduce_sum3A_23 = arith.constant dense<0.000000e+00> : vector<1xf32>
    %reduce_sum3A_24 = vector.multi_reduction <add>, %reduce_sum3A_22, %reduce_sum3A_23 [1, 2] : vector<1x8x1xf32> to vector<1xf32>
    %reduce_sum3A_25 = vector.shape_cast %reduce_sum3A_24 : vector<1xf32> to vector<1x1x1xf32>
    %reduce_sum3A_26 = vector.extract %reduce_sum3A_25[0, 0, 0] : f32 from vector<1x1x1xf32>
    %div3A = vector.broadcast %reduce_sum3A_26 : f32 to vector<8x1xf32>
    %div3A_27 = arith.divf %select_n3A_21, %div3A : vector<8x1xf32>
    %jit3A_28 = arith.constant 1.000000e+30 : f32
    %broadcast_in_dim3A_29 = vector.broadcast %jit3A_28 : f32 to vector<8x1xf32>
    %select_n3A_30 = arith.select %lt3A_12, %div3A_27, %broadcast_in_dim3A_29 : vector<8x1xi1>, vector<8x1xf32>
    %reduce_min3A = vector.shape_cast %select_n3A_30 : vector<8x1xf32> to vector<1x8x1xf32>
    %reduce_min3A_31 = arith.constant dense<0x7F800000> : vector<1xf32>
    %reduce_min3A_32 = vector.multi_reduction <minimumf>, %reduce_min3A, %reduce_min3A_31 [1, 2] : vector<1x8x1xf32> to vector<1xf32>
    %reduce_min3A_33 = vector.shape_cast %reduce_min3A_32 : vector<1xf32> to vector<1x1x1xf32>
    %reduce_min3A_34 = vector.extract %reduce_min3A_33[0, 0, 0] : f32 from vector<1x1x1xf32>
    %eq3A = vector.broadcast %reduce_min3A_34 : f32 to vector<8x1xf32>
    %eq3A_35 = arith.cmpf oeq, %select_n3A_30, %eq3A : vector<8x1xf32>
    %and3A = arith.andi %eq3A_35, %lt3A_12 : vector<8x1xi1>
    %jit3A_36 = arith.constant -1 : i32
    %broadcast_in_dim3A_37 = vector.broadcast %jit3A_36 : i32 to vector<8x1xi32>
    %select_n3A_38 = arith.select %and3A, %iota3A, %broadcast_in_dim3A_37 : vector<8x1xi1>, vector<8x1xi32>
    %reduce_max3A_39 = vector.shape_cast %select_n3A_38 : vector<8x1xi32> to vector<1x8x1xi32>
    %reduce_max3A_40 = arith.constant dense<-2147483648> : vector<1xi32>
    %reduce_max3A_41 = vector.multi_reduction <maxsi>, %reduce_max3A_39, %reduce_max3A_40 [1, 2] : vector<1x8x1xi32> to vector<1xi32>
    %reduce_max3A_42 = vector.shape_cast %reduce_max3A_41 : vector<1xi32> to vector<1x1x1xi32>
    %reduce_max3A_43 = vector.extract %reduce_max3A_42[0, 0, 0] : i32 from vector<1x1x1xi32>
    %ne3A = vector.broadcast %reduce_max3A_43 : i32 to vector<8x1xi32>
    %ne3A_44 = arith.cmpi ne, %iota3A, %ne3A : vector<8x1xi32>
    %and3A_45 = arith.andi %lt3A_12, %ne3A_44 : vector<8x1xi1>
    %jit3A_46 = arith.constant 0.000000e+00 : f32
    %broadcast_in_dim3A_47 = vector.broadcast %jit3A_46 : f32 to vector<8x1xf32>
    %select_n3A_48 = arith.select %and3A_45, %div3A_27, %broadcast_in_dim3A_47 : vector<8x1xi1>, vector<8x1xf32>
    %slice3A = vector.extract_strided_slice %select_n3A_48 {offsets = [0, 0], sizes = [1, 1], strides = [1, 1]} : vector<8x1xf32> to vector<1x1xf32>
    %squeeze3A = vector.extract %slice3A[0, 0] : f32 from vector<1x1xf32>
    %slice3A_49 = vector.extract_strided_slice %select_n3A_48 {offsets = [1, 0], sizes = [1, 1], strides = [1, 1]} : vector<8x1xf32> to vector<1x1xf32>
    %squeeze3A_50 = vector.extract %slice3A_49[0, 0] : f32 from vector<1x1xf32>
    %slice3A_51 = vector.extract_strided_slice %select_n3A_48 {offsets = [2, 0], sizes = [1, 1], strides = [1, 1]} : vector<8x1xf32> to vector<1x1xf32>
    %squeeze3A_52 = vector.extract %slice3A_51[0, 0] : f32 from vector<1x1xf32>
    %iota3A_53 = tpu.iota {dimensions = array<i32: 1>} : vector<1x14xi32>
    %lt3A_54 = arith.constant 2 : i32
    %lt3A_55 = vector.broadcast %lt3A_54 : i32 to vector<1x14xi32>
    %lt3A_56 = arith.cmpi slt, %iota3A_53, %lt3A_55 : vector<1x14xi32>
    %lt3A_57 = arith.constant 6 : i32
    %lt3A_58 = vector.broadcast %lt3A_57 : i32 to vector<1x14xi32>
    %lt3A_59 = arith.cmpi slt, %iota3A_53, %lt3A_58 : vector<1x14xi32>
    %broadcast_in_dim3A_60 = vector.broadcast %squeeze3A_50 : f32 to vector<1x14xf32>
    %broadcast_in_dim3A_61 = vector.broadcast %squeeze3A_52 : f32 to vector<1x14xf32>
    %select_n3A_62 = arith.select %lt3A_59, %broadcast_in_dim3A_60, %broadcast_in_dim3A_61 : vector<1x14xi1>, vector<1x14xf32>
    %broadcast_in_dim3A_63 = vector.broadcast %squeeze3A : f32 to vector<1x14xf32>
    %select_n3A_64 = arith.select %lt3A_56, %broadcast_in_dim3A_63, %select_n3A_62 : vector<1x14xi1>, vector<1x14xf32>
    %get3A_65 = arith.constant 0 : index
    %get3A_66 = arith.constant 0 : index
    %get3A_67 = vector.load %arg12[%get3A_65, %get3A_66] : memref<3x96xf32, #tpu.memory_space<vmem>>, vector<1x96xf32>
    %mul3A_68 = vector.broadcast %squeeze3A : f32 to vector<1x96xf32>
    %mul3A_69 = arith.mulf %mul3A_68, %get3A_67 : vector<1x96xf32>
    %get3A_70 = arith.constant 1 : index
    %get3A_71 = arith.constant 0 : index
    %get3A_72 = vector.load %arg12[%get3A_70, %get3A_71] : memref<3x96xf32, #tpu.memory_space<vmem>>, vector<1x96xf32>
    %mul3A_73 = vector.broadcast %squeeze3A_50 : f32 to vector<1x96xf32>
    %mul3A_74 = arith.mulf %mul3A_73, %get3A_72 : vector<1x96xf32>
    %add3A = arith.addf %mul3A_69, %mul3A_74 : vector<1x96xf32>
    %get3A_75 = arith.constant 2 : index
    %get3A_76 = arith.constant 0 : index
    %get3A_77 = vector.load %arg12[%get3A_75, %get3A_76] : memref<3x96xf32, #tpu.memory_space<vmem>>, vector<1x96xf32>
    %mul3A_78 = vector.broadcast %squeeze3A_52 : f32 to vector<1x96xf32>
    %mul3A_79 = arith.mulf %mul3A_78, %get3A_77 : vector<1x96xf32>
    %add3A_80 = arith.addf %add3A, %mul3A_79 : vector<1x96xf32>
    %get3A_81 = arith.constant 0 : index
    %get3A_82 = arith.constant 0 : index
    %get3A_83 = arith.constant 0 : index
    %get3A_84 = arith.constant 0 : index
    %get3A_85 = vector.load %arg2[%get3A_81, %get3A_82, %get3A_83, %get3A_84] : memref<1x16x224x96xbf16, #tpu.memory_space<vmem>>, vector<1x16x224x96xbf16>
    %get3A_86 = vector.shape_cast %get3A_85 : vector<1x16x224x96xbf16> to vector<16x224x96xbf16>
    %reshape3A = vector.shape_cast %get3A_86 : vector<16x224x96xbf16> to vector<3584x96xbf16>
    %get3A_87 = arith.constant 0 : index
    %get3A_88 = arith.constant 0 : index
    %get3A_89 = arith.constant 0 : index
    %get3A_90 = arith.constant 0 : index
    %get3A_91 = vector.load %arg3[%get3A_87, %get3A_88, %get3A_89, %get3A_90] : memref<1x16x224x96xbf16, #tpu.memory_space<vmem>>, vector<1x16x224x96xbf16>
    %get3A_92 = vector.shape_cast %get3A_91 : vector<1x16x224x96xbf16> to vector<16x224x96xbf16>
    %reshape3A_93 = vector.shape_cast %get3A_92 : vector<16x224x96xbf16> to vector<3584x96xbf16>
    %get3A_94 = arith.constant 0 : index
    %get3A_95 = arith.constant 0 : index
    %get3A_96 = vector.load %arg7[%get3A_94, %get3A_95] : memref<96x14xbf16, #tpu.memory_space<vmem>>, vector<96x14xbf16>
    %dot_general3A = arith.constant dense<0.000000e+00> : vector<3584x14xf32>
    %dot_general3A_97 = tpu.matmul %reshape3A, %get3A_96, %dot_general3A {dimension_numbers = #tpu.dot_dimension_numbers<[1], [0], [0], [1], [0, 0, 1, 1], [], []>, transpose_lhs_hint = false} : vector<3584x96xbf16>, vector<96x14xbf16>, vector<3584x14xf32> -> vector<3584x14xf32>
    %get3A_98 = arith.constant 0 : index
    %get3A_99 = arith.constant 0 : index
    %get3A_100 = vector.load %arg8[%get3A_98, %get3A_99] : memref<1x14xf32, #tpu.memory_space<vmem>>, vector<1x14xf32>
    %add3A_101 = vector.broadcast %get3A_100 : vector<1x14xf32> to vector<3584x14xf32>
    %add3A_102 = arith.addf %dot_general3A_97, %add3A_101 : vector<3584x14xf32>
    %get3A_103 = arith.constant 0 : index
    %get3A_104 = arith.constant 0 : index
    %get3A_105 = vector.load %arg9[%get3A_103, %get3A_104] : memref<96x14xbf16, #tpu.memory_space<vmem>>, vector<96x14xbf16>
    %dot_general3A_106 = arith.constant dense<0.000000e+00> : vector<3584x14xf32>
    %dot_general3A_107 = tpu.matmul %reshape3A_93, %get3A_105, %dot_general3A_106 {dimension_numbers = #tpu.dot_dimension_numbers<[1], [0], [0], [1], [0, 0, 1, 1], [], []>, transpose_lhs_hint = false} : vector<3584x96xbf16>, vector<96x14xbf16>, vector<3584x14xf32> -> vector<3584x14xf32>
    %get3A_108 = arith.constant 0 : index
    %get3A_109 = arith.constant 0 : index
    %get3A_110 = vector.load %arg10[%get3A_108, %get3A_109] : memref<1x14xf32, #tpu.memory_space<vmem>>, vector<1x14xf32>
    %add3A_111 = vector.broadcast %get3A_110 : vector<1x14xf32> to vector<3584x14xf32>
    %add3A_112 = arith.addf %dot_general3A_107, %add3A_111 : vector<3584x14xf32>
    %mul3A_113 = arith.mulf %add3A_102, %add3A_112 : vector<3584x14xf32>
    %mul3A_114 = vector.broadcast %select_n3A_64 : vector<1x14xf32> to vector<3584x14xf32>
    %mul3A_115 = arith.mulf %mul3A_113, %mul3A_114 : vector<3584x14xf32>
    %convert_element_type3A = arith.extf %reshape3A : vector<3584x96xbf16> to vector<3584x96xf32>
    %convert_element_type3A_116 = arith.truncf %mul3A_115 : vector<3584x14xf32> to vector<3584x14xbf16>
    %get3A_117 = arith.constant 0 : index
    %get3A_118 = arith.constant 0 : index
    %get3A_119 = vector.load %arg11[%get3A_117, %get3A_118] : memref<14x96xbf16, #tpu.memory_space<vmem>>, vector<14x96xbf16>
    %dot_general3A_120 = arith.constant dense<0.000000e+00> : vector<3584x96xf32>
    %dot_general3A_121 = tpu.matmul %convert_element_type3A_116, %get3A_119, %dot_general3A_120 {dimension_numbers = #tpu.dot_dimension_numbers<[1], [0], [0], [1], [0, 0, 1, 1], [], []>, transpose_lhs_hint = false} : vector<3584x14xbf16>, vector<14x96xbf16>, vector<3584x96xf32> -> vector<3584x96xf32>
    %add3A_122 = arith.addf %convert_element_type3A, %dot_general3A_121 : vector<3584x96xf32>
    %add3A_123 = vector.broadcast %add3A_80 : vector<1x96xf32> to vector<3584x96xf32>
    %add3A_124 = arith.addf %add3A_122, %add3A_123 : vector<3584x96xf32>
    %convert_element_type3A_125 = arith.truncf %add3A_124 : vector<3584x96xf32> to vector<3584x96xbf16>
    %get3A_126 = arith.constant 0 : index
    %get3A_127 = arith.constant 0 : index
    %get3A_128 = vector.load %arg13[%get3A_126, %get3A_127] : memref<96x96xbf16, #tpu.memory_space<vmem>>, vector<96x96xbf16>
    %dot_general3A_129 = arith.constant dense<0.000000e+00> : vector<3584x96xf32>
    %dot_general3A_130 = tpu.matmul %convert_element_type3A_125, %get3A_128, %dot_general3A_129 {dimension_numbers = #tpu.dot_dimension_numbers<[1], [0], [0], [1], [0, 0, 1, 1], [], []>, transpose_lhs_hint = false} : vector<3584x96xbf16>, vector<96x96xbf16>, vector<3584x96xf32> -> vector<3584x96xf32>
    %get3A_131 = arith.constant 0 : index
    %get3A_132 = arith.constant 0 : index
    %get3A_133 = vector.load %arg14[%get3A_131, %get3A_132] : memref<1x96xf32, #tpu.memory_space<vmem>>, vector<1x96xf32>
    %add3A_134 = vector.broadcast %get3A_133 : vector<1x96xf32> to vector<3584x96xf32>
    %add3A_135 = arith.addf %dot_general3A_130, %add3A_134 : vector<3584x96xf32>
    %reshape3A_136 = vector.shape_cast %add3A_135 : vector<3584x96xf32> to vector<16x224x96xf32>
    %get3A_137 = arith.constant 0 : index
    %get3A_138 = arith.constant 0 : index
    %get3A_139 = arith.constant 0 : index
    %get3A_140 = arith.constant 0 : index
    %get3A_141 = vector.load %arg4[%get3A_137, %get3A_138, %get3A_139, %get3A_140] : memref<1x16x224x96xf32, #tpu.memory_space<vmem>>, vector<1x16x224x96xf32>
    %get3A_142 = vector.shape_cast %get3A_141 : vector<1x16x224x96xf32> to vector<16x224x96xf32>
    %add3A_143 = arith.addf %reshape3A_136, %get3A_142 : vector<16x224x96xf32>
    %swap3A = arith.constant 0 : index
    %swap3A_144 = arith.constant 0 : index
    %swap3A_145 = arith.constant 0 : index
    %swap3A_146 = arith.constant 0 : index
    %swap3A_147 = vector.load %arg15[%swap3A, %swap3A_144, %swap3A_145, %swap3A_146] : memref<1x16x224x96xf32, #tpu.memory_space<vmem>>, vector<1x16x224x96xf32>
    %swap3A_148 = vector.shape_cast %swap3A_147 : vector<1x16x224x96xf32> to vector<16x224x96xf32>
    %swap3A_149 = vector.shape_cast %add3A_143 : vector<16x224x96xf32> to vector<1x16x224x96xf32>
    tpu.vector_store %arg15[%swap3A, %swap3A_144, %swap3A_145, %swap3A_146], %swap3A_149 {strides = array<i32>} : memref<1x16x224x96xf32, #tpu.memory_space<vmem>>, vector<1x16x224x96xf32>,
    return
  }
  func.func @transform_0(%arg0: i32, %arg1: i32) -> (i32, i32, i32, i32) {
    %c0_i32 = arith.constant 0 : i32
    %c0_i32_0 = arith.constant 0 : i32
    %c0_i32_1 = arith.constant 0 : i32
    return %arg0, %arg1, %c0_i32, %c0_i32_0 : i32, i32, i32, i32
  }
  func.func @transform_1(%arg0: i32, %arg1: i32) -> (i32, i32, i32, i32) {
    %c0_i32 = arith.constant 0 : i32
    %c0_i32_0 = arith.constant 0 : i32
    %c0_i32_1 = arith.constant 0 : i32
    return %arg0, %arg1, %c0_i32, %c0_i32_0 : i32, i32, i32, i32
  }
  func.func @transform_2(%arg0: i32, %arg1: i32) -> (i32, i32, i32, i32) {
    %c0_i32 = arith.constant 0 : i32
    %c0_i32_0 = arith.constant 0 : i32
    %c0_i32_1 = arith.constant 0 : i32
    return %arg0, %arg1, %c0_i32, %c0_i32_0 : i32, i32, i32, i32
  }
  func.func @transform_3(%arg0: i32, %arg1: i32) -> (i32, i32, i32) {
    %c0_i32 = arith.constant 0 : i32
    %c0_i32_0 = arith.constant 0 : i32
    %c0_i32_1 = arith.constant 0 : i32
    return %arg0, %c0_i32, %c0_i32_0 : i32, i32, i32
  }
  func.func @transform_4(%arg0: i32, %arg1: i32) -> (i32, i32) {
    %c0_i32 = arith.constant 0 : i32
    %c0_i32_0 = arith.constant 0 : i32
    %c0_i32_1 = arith.constant 0 : i32
    return %c0_i32, %c0_i32_0 : i32, i32
  }
  func.func @transform_5(%arg0: i32, %arg1: i32) -> (i32, i32) {
    %c0_i32 = arith.constant 0 : i32
    %c0_i32_0 = arith.constant 0 : i32
    %c0_i32_1 = arith.constant 0 : i32
    return %c0_i32, %c0_i32_0 : i32, i32
  }
  func.func @transform_6(%arg0: i32, %arg1: i32) -> (i32, i32) {
    %c0_i32 = arith.constant 0 : i32
    %c0_i32_0 = arith.constant 0 : i32
    %c0_i32_1 = arith.constant 0 : i32
    return %c0_i32, %c0_i32_0 : i32, i32
  }
  func.func @transform_7(%arg0: i32, %arg1: i32) -> (i32, i32) {
    %c0_i32 = arith.constant 0 : i32
    %c0_i32_0 = arith.constant 0 : i32
    %c0_i32_1 = arith.constant 0 : i32
    return %c0_i32, %c0_i32_0 : i32, i32
  }
  func.func @transform_8(%arg0: i32, %arg1: i32) -> (i32, i32) {
    %c0_i32 = arith.constant 0 : i32
    %c0_i32_0 = arith.constant 0 : i32
    %c0_i32_1 = arith.constant 0 : i32
    return %c0_i32, %c0_i32_0 : i32, i32
  }
  func.func @transform_9(%arg0: i32, %arg1: i32) -> (i32, i32) {
    %c0_i32 = arith.constant 0 : i32
    %c0_i32_0 = arith.constant 0 : i32
    %c0_i32_1 = arith.constant 0 : i32
    return %c0_i32, %c0_i32_0 : i32, i32
  }
  func.func @transform_10(%arg0: i32, %arg1: i32) -> (i32, i32) {
    %c0_i32 = arith.constant 0 : i32
    %c0_i32_0 = arith.constant 0 : i32
    %c0_i32_1 = arith.constant 0 : i32
    return %c0_i32, %c0_i32_0 : i32, i32
  }
  func.func @transform_11(%arg0: i32, %arg1: i32) -> (i32, i32) {
    %c0_i32 = arith.constant 0 : i32
    %c0_i32_0 = arith.constant 0 : i32
    %c0_i32_1 = arith.constant 0 : i32
    return %c0_i32, %c0_i32_0 : i32, i32
  }
  func.func @transform_12(%arg0: i32, %arg1: i32) -> (i32, i32) {
    %c0_i32 = arith.constant 0 : i32
    %c0_i32_0 = arith.constant 0 : i32
    %c0_i32_1 = arith.constant 0 : i32
    return %c0_i32, %c0_i32_0 : i32, i32
  }
  func.func @transform_13(%arg0: i32, %arg1: i32) -> (i32, i32, i32, i32) {
    %c0_i32 = arith.constant 0 : i32
    %c0_i32_0 = arith.constant 0 : i32
    %c0_i32_1 = arith.constant 0 : i32
    return %arg0, %arg1, %c0_i32, %c0_i32_0 : i32, i32, i32, i32
  }
}

module attributes {stable_mosaic.version = 14 : i64} {
  func.func @_stage_a_body(%arg0: i32, %arg1: i32, %arg2: memref<2x228x224x96xf32, #tpu.memory_space<hbm>>, %arg3: memref<1x96xf32, #tpu.memory_space<vmem>>, %arg4: memref<1x96xf32, #tpu.memory_space<vmem>>, %arg5: memref<9x96x96xbf16, #tpu.memory_space<vmem>>, %arg6: memref<1x96xf32, #tpu.memory_space<vmem>>, %arg7: memref<96x96xbf16, #tpu.memory_space<vmem>>, %arg8: memref<1x96xf32, #tpu.memory_space<vmem>>, %arg9: memref<96x96xbf16, #tpu.memory_space<vmem>>, %arg10: memref<1x96xf32, #tpu.memory_space<vmem>>, %arg11: memref<3x96xf32, #tpu.memory_space<vmem>>, %arg12: memref<1x96xf32, #tpu.memory_space<vmem>>, %arg13: memref<3x96xf32, #tpu.memory_space<vmem>>, %arg14: memref<1x96xf32, #tpu.memory_space<vmem>>, %arg15: memref<1x16x224x96xbf16, #tpu.memory_space<vmem>>, %arg16: memref<1x16x224x96xbf16, #tpu.memory_space<vmem>>, %arg17: memref<1x8x96xf32, #tpu.memory_space<vmem>>, %arg18: memref<20x224x96xf32, #tpu.memory_space<vmem>>, %arg19: memref<!tpu.dma_semaphore, #tpu.memory_space<semaphore_mem>>) attributes {dimension_semantics = [#tpu.dimension_semantics<arbitrary>, #tpu.dimension_semantics<arbitrary>], iteration_bounds = array<i64: 2, 14>, scalar_prefetch = 0 : i64, scratch_operands = 2 : i64, tpu.core_type = #tpu.core_type<tc>, window_params = [{}, {pipeline_mode = #tpu.pipeline_mode<synchronous>, transform_indices = @transform_1, window_bounds = array<i64: 1, 96>}, {pipeline_mode = #tpu.pipeline_mode<synchronous>, transform_indices = @transform_2, window_bounds = array<i64: 1, 96>}, {pipeline_mode = #tpu.pipeline_mode<synchronous>, transform_indices = @transform_3, window_bounds = array<i64: 9, 96, 96>}, {pipeline_mode = #tpu.pipeline_mode<synchronous>, transform_indices = @transform_4, window_bounds = array<i64: 1, 96>}, {pipeline_mode = #tpu.pipeline_mode<synchronous>, transform_indices = @transform_5, window_bounds = array<i64: 96, 96>}, {pipeline_mode = #tpu.pipeline_mode<synchronous>, transform_indices = @transform_6, window_bounds = array<i64: 1, 96>}, {pipeline_mode = #tpu.pipeline_mode<synchronous>, transform_indices = @transform_7, window_bounds = array<i64: 96, 96>}, {pipeline_mode = #tpu.pipeline_mode<synchronous>, transform_indices = @transform_8, window_bounds = array<i64: 1, 96>}, {pipeline_mode = #tpu.pipeline_mode<synchronous>, transform_indices = @transform_9, window_bounds = array<i64: 3, 96>}, {pipeline_mode = #tpu.pipeline_mode<synchronous>, transform_indices = @transform_10, window_bounds = array<i64: 1, 96>}, {pipeline_mode = #tpu.pipeline_mode<synchronous>, transform_indices = @transform_11, window_bounds = array<i64: 3, 96>}, {pipeline_mode = #tpu.pipeline_mode<synchronous>, transform_indices = @transform_12, window_bounds = array<i64: 1, 96>}, {transform_indices = @transform_13, window_bounds = array<i64: 1, 16, 224, 96>}, {transform_indices = @transform_14, window_bounds = array<i64: 1, 16, 224, 96>}, {transform_indices = @transform_15, window_bounds = array<i64: 1, 8, 96>}]} {
    %mul3A = arith.constant 16 : i32
    %mul3A_0 = arith.muli %arg1, %mul3A : i32
    %dma_start3A = arith.constant 0 : i32
    %dma_start3A_1 = arith.constant 0 : i32
    %dma_start3A_2 = tpu.memref_slice %arg2[%arg0, %mul3A_0, %dma_start3A, %dma_start3A_1] : memref<2x228x224x96xf32, #tpu.memory_space<hbm>> -> memref<1x20x224x96xf32, #tpu.memory_space<hbm>>
    %dma_start3A_3 = tpu.memref_squeeze %dma_start3A_2 : memref<1x20x224x96xf32, #tpu.memory_space<hbm>> -> memref<20x224x96xf32, #tpu.memory_space<hbm>>
    tpu.enqueue_dma source(%dma_start3A_3 : memref<20x224x96xf32, #tpu.memory_space<hbm>>) target(%arg18 : memref<20x224x96xf32, #tpu.memory_space<vmem>>) target_semaphore(%arg19 : memref<!tpu.dma_semaphore, #tpu.memory_space<semaphore_mem>>)
    %dma_wait3A = arith.constant 0 : i32
    %dma_wait3A_4 = arith.constant 0 : i32
    %dma_wait3A_5 = tpu.memref_slice %arg2[%arg0, %mul3A_0, %dma_wait3A, %dma_wait3A_4] : memref<2x228x224x96xf32, #tpu.memory_space<hbm>> -> memref<1x20x224x96xf32, #tpu.memory_space<hbm>>
    %dma_wait3A_6 = tpu.memref_squeeze %dma_wait3A_5 : memref<1x20x224x96xf32, #tpu.memory_space<hbm>> -> memref<20x224x96xf32, #tpu.memory_space<hbm>>
    tpu.wait_dma2 semaphore(%arg19 : memref<!tpu.dma_semaphore, #tpu.memory_space<semaphore_mem>>) src(%dma_wait3A_6 : memref<20x224x96xf32, #tpu.memory_space<hbm>>) dst(%arg18 : memref<20x224x96xf32, #tpu.memory_space<vmem>>)
    %get3A = arith.constant 0 : index
    %get3A_7 = arith.constant 0 : index
    %get3A_8 = arith.constant 0 : index
    %get3A_9 = vector.load %arg18[%get3A, %get3A_7, %get3A_8] : memref<20x224x96xf32, #tpu.memory_space<vmem>>, vector<20x224x96xf32>
    %reduce_sum3A = arith.constant dense<0.000000e+00> : vector<20x224xf32>
    %reduce_sum3A_10 = vector.multi_reduction <add>, %get3A_9, %reduce_sum3A [2] : vector<20x224x96xf32> to vector<20x224xf32>
    %broadcast_in_dim3A = vector.shape_cast %reduce_sum3A_10 : vector<20x224xf32> to vector<20x224x1xf32>
    %div3A = arith.constant 9.600000e+01 : f32
    %div3A_11 = vector.broadcast %div3A : f32 to vector<20x224x1xf32>
    %div3A_12 = arith.divf %broadcast_in_dim3A, %div3A_11 : vector<20x224x1xf32>
    %sub3A = vector.broadcast %div3A_12 : vector<20x224x1xf32> to vector<20x224x96xf32>
    %sub3A_13 = arith.subf %get3A_9, %sub3A : vector<20x224x96xf32>
    %mul3A_14 = arith.mulf %sub3A_13, %sub3A_13 : vector<20x224x96xf32>
    %reduce_sum3A_15 = arith.constant dense<0.000000e+00> : vector<20x224xf32>
    %reduce_sum3A_16 = vector.multi_reduction <add>, %mul3A_14, %reduce_sum3A_15 [2] : vector<20x224x96xf32> to vector<20x224xf32>
    %broadcast_in_dim3A_17 = vector.shape_cast %reduce_sum3A_16 : vector<20x224xf32> to vector<20x224x1xf32>
    %div3A_18 = arith.constant 9.600000e+01 : f32
    %div3A_19 = vector.broadcast %div3A_18 : f32 to vector<20x224x1xf32>
    %div3A_20 = arith.divf %broadcast_in_dim3A_17, %div3A_19 : vector<20x224x1xf32>
    %add3A = arith.constant 9.99999997E-7 : f32
    %add3A_21 = vector.broadcast %add3A : f32 to vector<20x224x1xf32>
    %add3A_22 = arith.addf %div3A_20, %add3A_21 : vector<20x224x1xf32>
    %rsqrt3A = math.rsqrt %add3A_22 : vector<20x224x1xf32>
    %mul3A_23 = vector.broadcast %rsqrt3A : vector<20x224x1xf32> to vector<20x224x96xf32>
    %mul3A_24 = arith.mulf %sub3A_13, %mul3A_23 : vector<20x224x96xf32>
    %get3A_25 = arith.constant 0 : index
    %get3A_26 = arith.constant 0 : index
    %get3A_27 = vector.load %arg3[%get3A_25, %get3A_26] : memref<1x96xf32, #tpu.memory_space<vmem>>, vector<1x96xf32>
    %reshape3A = vector.shape_cast %get3A_27 : vector<1x96xf32> to vector<1x1x96xf32>
    %mul3A_28 = vector.broadcast %reshape3A : vector<1x1x96xf32> to vector<20x224x96xf32>
    %mul3A_29 = arith.mulf %mul3A_24, %mul3A_28 : vector<20x224x96xf32>
    %get3A_30 = arith.constant 0 : index
    %get3A_31 = arith.constant 0 : index
    %get3A_32 = vector.load %arg4[%get3A_30, %get3A_31] : memref<1x96xf32, #tpu.memory_space<vmem>>, vector<1x96xf32>
    %reshape3A_33 = vector.shape_cast %get3A_32 : vector<1x96xf32> to vector<1x1x96xf32>
    %add3A_34 = vector.broadcast %reshape3A_33 : vector<1x1x96xf32> to vector<20x224x96xf32>
    %add3A_35 = arith.addf %mul3A_29, %add3A_34 : vector<20x224x96xf32>
    %convert_element_type3A = arith.truncf %add3A_35 : vector<20x224x96xf32> to vector<20x224x96xbf16>
    %broadcast_in_dim3A_36 = arith.constant 0.000000e+00 : bf16
    %broadcast_in_dim3A_37 = vector.broadcast %broadcast_in_dim3A_36 : bf16 to vector<18x1x96xbf16>
    %broadcast_in_dim3A_38 = arith.constant 0.000000e+00 : f32
    %broadcast_in_dim3A_39 = vector.broadcast %broadcast_in_dim3A_38 : f32 to vector<4032x96xf32>
    %slice3A = vector.extract_strided_slice %convert_element_type3A {offsets = [0, 0, 0], sizes = [18, 224, 96], strides = [1, 1, 1]} : vector<20x224x96xbf16> to vector<18x224x96xbf16>
    %slice3A_40 = vector.extract_strided_slice %slice3A {offsets = [0, 0, 0], sizes = [18, 223, 96], strides = [1, 1, 1]} : vector<18x224x96xbf16> to vector<18x223x96xbf16>
    %concatenate3A = tpu.concatenate %broadcast_in_dim3A_37, %slice3A_40 in 1 : vector<18x1x96xbf16>, vector<18x223x96xbf16> -> vector<18x224x96xbf16>
    %reshape3A_41 = vector.shape_cast %concatenate3A : vector<18x224x96xbf16> to vector<4032x96xbf16>
    %get3A_42 = arith.constant 0 : index
    %get3A_43 = arith.constant 0 : index
    %get3A_44 = arith.constant 0 : index
    %get3A_45 = vector.load %arg5[%get3A_42, %get3A_43, %get3A_44] : memref<9x96x96xbf16, #tpu.memory_space<vmem>>, vector<1x96x96xbf16>
    %get3A_46 = vector.shape_cast %get3A_45 : vector<1x96x96xbf16> to vector<96x96xbf16>
    %dot_general3A = arith.constant dense<0.000000e+00> : vector<4032x96xf32>
    %dot_general3A_47 = tpu.matmul %reshape3A_41, %get3A_46, %dot_general3A {dimension_numbers = #tpu.dot_dimension_numbers<[1], [0], [0], [1], [0, 0, 1, 1], [], []>, transpose_lhs_hint = false} : vector<4032x96xbf16>, vector<96x96xbf16>, vector<4032x96xf32> -> vector<4032x96xf32>
    %add3A_48 = arith.addf %broadcast_in_dim3A_39, %dot_general3A_47 : vector<4032x96xf32>
    %reshape3A_49 = vector.shape_cast %slice3A : vector<18x224x96xbf16> to vector<4032x96xbf16>
    %get3A_50 = arith.constant 1 : index
    %get3A_51 = arith.constant 0 : index
    %get3A_52 = arith.constant 0 : index
    %get3A_53 = vector.load %arg5[%get3A_50, %get3A_51, %get3A_52] : memref<9x96x96xbf16, #tpu.memory_space<vmem>>, vector<1x96x96xbf16>
    %get3A_54 = vector.shape_cast %get3A_53 : vector<1x96x96xbf16> to vector<96x96xbf16>
    %dot_general3A_55 = arith.constant dense<0.000000e+00> : vector<4032x96xf32>
    %dot_general3A_56 = tpu.matmul %reshape3A_49, %get3A_54, %dot_general3A_55 {dimension_numbers = #tpu.dot_dimension_numbers<[1], [0], [0], [1], [0, 0, 1, 1], [], []>, transpose_lhs_hint = false} : vector<4032x96xbf16>, vector<96x96xbf16>, vector<4032x96xf32> -> vector<4032x96xf32>
    %add3A_57 = arith.addf %add3A_48, %dot_general3A_56 : vector<4032x96xf32>
    %slice3A_58 = vector.extract_strided_slice %slice3A {offsets = [0, 1, 0], sizes = [18, 223, 96], strides = [1, 1, 1]} : vector<18x224x96xbf16> to vector<18x223x96xbf16>
    %concatenate3A_59 = tpu.concatenate %slice3A_58, %broadcast_in_dim3A_37 in 1 : vector<18x223x96xbf16>, vector<18x1x96xbf16> -> vector<18x224x96xbf16>
    %reshape3A_60 = vector.shape_cast %concatenate3A_59 : vector<18x224x96xbf16> to vector<4032x96xbf16>
    %get3A_61 = arith.constant 2 : index
    %get3A_62 = arith.constant 0 : index
    %get3A_63 = arith.constant 0 : index
    %get3A_64 = vector.load %arg5[%get3A_61, %get3A_62, %get3A_63] : memref<9x96x96xbf16, #tpu.memory_space<vmem>>, vector<1x96x96xbf16>
    %get3A_65 = vector.shape_cast %get3A_64 : vector<1x96x96xbf16> to vector<96x96xbf16>
    %dot_general3A_66 = arith.constant dense<0.000000e+00> : vector<4032x96xf32>
    %dot_general3A_67 = tpu.matmul %reshape3A_60, %get3A_65, %dot_general3A_66 {dimension_numbers = #tpu.dot_dimension_numbers<[1], [0], [0], [1], [0, 0, 1, 1], [], []>, transpose_lhs_hint = false} : vector<4032x96xbf16>, vector<96x96xbf16>, vector<4032x96xf32> -> vector<4032x96xf32>
    %add3A_68 = arith.addf %add3A_57, %dot_general3A_67 : vector<4032x96xf32>
    %slice3A_69 = vector.extract_strided_slice %convert_element_type3A {offsets = [1, 0, 0], sizes = [18, 224, 96], strides = [1, 1, 1]} : vector<20x224x96xbf16> to vector<18x224x96xbf16>
    %slice3A_70 = vector.extract_strided_slice %slice3A_69 {offsets = [0, 0, 0], sizes = [18, 223, 96], strides = [1, 1, 1]} : vector<18x224x96xbf16> to vector<18x223x96xbf16>
    %concatenate3A_71 = tpu.concatenate %broadcast_in_dim3A_37, %slice3A_70 in 1 : vector<18x1x96xbf16>, vector<18x223x96xbf16> -> vector<18x224x96xbf16>
    %reshape3A_72 = vector.shape_cast %concatenate3A_71 : vector<18x224x96xbf16> to vector<4032x96xbf16>
    %get3A_73 = arith.constant 3 : index
    %get3A_74 = arith.constant 0 : index
    %get3A_75 = arith.constant 0 : index
    %get3A_76 = vector.load %arg5[%get3A_73, %get3A_74, %get3A_75] : memref<9x96x96xbf16, #tpu.memory_space<vmem>>, vector<1x96x96xbf16>
    %get3A_77 = vector.shape_cast %get3A_76 : vector<1x96x96xbf16> to vector<96x96xbf16>
    %dot_general3A_78 = arith.constant dense<0.000000e+00> : vector<4032x96xf32>
    %dot_general3A_79 = tpu.matmul %reshape3A_72, %get3A_77, %dot_general3A_78 {dimension_numbers = #tpu.dot_dimension_numbers<[1], [0], [0], [1], [0, 0, 1, 1], [], []>, transpose_lhs_hint = false} : vector<4032x96xbf16>, vector<96x96xbf16>, vector<4032x96xf32> -> vector<4032x96xf32>
    %add3A_80 = arith.addf %add3A_68, %dot_general3A_79 : vector<4032x96xf32>
    %reshape3A_81 = vector.shape_cast %slice3A_69 : vector<18x224x96xbf16> to vector<4032x96xbf16>
    %get3A_82 = arith.constant 4 : index
    %get3A_83 = arith.constant 0 : index
    %get3A_84 = arith.constant 0 : index
    %get3A_85 = vector.load %arg5[%get3A_82, %get3A_83, %get3A_84] : memref<9x96x96xbf16, #tpu.memory_space<vmem>>, vector<1x96x96xbf16>
    %get3A_86 = vector.shape_cast %get3A_85 : vector<1x96x96xbf16> to vector<96x96xbf16>
    %dot_general3A_87 = arith.constant dense<0.000000e+00> : vector<4032x96xf32>
    %dot_general3A_88 = tpu.matmul %reshape3A_81, %get3A_86, %dot_general3A_87 {dimension_numbers = #tpu.dot_dimension_numbers<[1], [0], [0], [1], [0, 0, 1, 1], [], []>, transpose_lhs_hint = false} : vector<4032x96xbf16>, vector<96x96xbf16>, vector<4032x96xf32> -> vector<4032x96xf32>
    %add3A_89 = arith.addf %add3A_80, %dot_general3A_88 : vector<4032x96xf32>
    %slice3A_90 = vector.extract_strided_slice %slice3A_69 {offsets = [0, 1, 0], sizes = [18, 223, 96], strides = [1, 1, 1]} : vector<18x224x96xbf16> to vector<18x223x96xbf16>
    %concatenate3A_91 = tpu.concatenate %slice3A_90, %broadcast_in_dim3A_37 in 1 : vector<18x223x96xbf16>, vector<18x1x96xbf16> -> vector<18x224x96xbf16>
    %reshape3A_92 = vector.shape_cast %concatenate3A_91 : vector<18x224x96xbf16> to vector<4032x96xbf16>
    %get3A_93 = arith.constant 5 : index
    %get3A_94 = arith.constant 0 : index
    %get3A_95 = arith.constant 0 : index
    %get3A_96 = vector.load %arg5[%get3A_93, %get3A_94, %get3A_95] : memref<9x96x96xbf16, #tpu.memory_space<vmem>>, vector<1x96x96xbf16>
    %get3A_97 = vector.shape_cast %get3A_96 : vector<1x96x96xbf16> to vector<96x96xbf16>
    %dot_general3A_98 = arith.constant dense<0.000000e+00> : vector<4032x96xf32>
    %dot_general3A_99 = tpu.matmul %reshape3A_92, %get3A_97, %dot_general3A_98 {dimension_numbers = #tpu.dot_dimension_numbers<[1], [0], [0], [1], [0, 0, 1, 1], [], []>, transpose_lhs_hint = false} : vector<4032x96xbf16>, vector<96x96xbf16>, vector<4032x96xf32> -> vector<4032x96xf32>
    %add3A_100 = arith.addf %add3A_89, %dot_general3A_99 : vector<4032x96xf32>
    %slice3A_101 = vector.extract_strided_slice %convert_element_type3A {offsets = [2, 0, 0], sizes = [18, 224, 96], strides = [1, 1, 1]} : vector<20x224x96xbf16> to vector<18x224x96xbf16>
    %slice3A_102 = vector.extract_strided_slice %slice3A_101 {offsets = [0, 0, 0], sizes = [18, 223, 96], strides = [1, 1, 1]} : vector<18x224x96xbf16> to vector<18x223x96xbf16>
    %concatenate3A_103 = tpu.concatenate %broadcast_in_dim3A_37, %slice3A_102 in 1 : vector<18x1x96xbf16>, vector<18x223x96xbf16> -> vector<18x224x96xbf16>
    %reshape3A_104 = vector.shape_cast %concatenate3A_103 : vector<18x224x96xbf16> to vector<4032x96xbf16>
    %get3A_105 = arith.constant 6 : index
    %get3A_106 = arith.constant 0 : index
    %get3A_107 = arith.constant 0 : index
    %get3A_108 = vector.load %arg5[%get3A_105, %get3A_106, %get3A_107] : memref<9x96x96xbf16, #tpu.memory_space<vmem>>, vector<1x96x96xbf16>
    %get3A_109 = vector.shape_cast %get3A_108 : vector<1x96x96xbf16> to vector<96x96xbf16>
    %dot_general3A_110 = arith.constant dense<0.000000e+00> : vector<4032x96xf32>
    %dot_general3A_111 = tpu.matmul %reshape3A_104, %get3A_109, %dot_general3A_110 {dimension_numbers = #tpu.dot_dimension_numbers<[1], [0], [0], [1], [0, 0, 1, 1], [], []>, transpose_lhs_hint = false} : vector<4032x96xbf16>, vector<96x96xbf16>, vector<4032x96xf32> -> vector<4032x96xf32>
    %add3A_112 = arith.addf %add3A_100, %dot_general3A_111 : vector<4032x96xf32>
    %reshape3A_113 = vector.shape_cast %slice3A_101 : vector<18x224x96xbf16> to vector<4032x96xbf16>
    %get3A_114 = arith.constant 7 : index
    %get3A_115 = arith.constant 0 : index
    %get3A_116 = arith.constant 0 : index
    %get3A_117 = vector.load %arg5[%get3A_114, %get3A_115, %get3A_116] : memref<9x96x96xbf16, #tpu.memory_space<vmem>>, vector<1x96x96xbf16>
    %get3A_118 = vector.shape_cast %get3A_117 : vector<1x96x96xbf16> to vector<96x96xbf16>
    %dot_general3A_119 = arith.constant dense<0.000000e+00> : vector<4032x96xf32>
    %dot_general3A_120 = tpu.matmul %reshape3A_113, %get3A_118, %dot_general3A_119 {dimension_numbers = #tpu.dot_dimension_numbers<[1], [0], [0], [1], [0, 0, 1, 1], [], []>, transpose_lhs_hint = false} : vector<4032x96xbf16>, vector<96x96xbf16>, vector<4032x96xf32> -> vector<4032x96xf32>
    %add3A_121 = arith.addf %add3A_112, %dot_general3A_120 : vector<4032x96xf32>
    %slice3A_122 = vector.extract_strided_slice %slice3A_101 {offsets = [0, 1, 0], sizes = [18, 223, 96], strides = [1, 1, 1]} : vector<18x224x96xbf16> to vector<18x223x96xbf16>
    %concatenate3A_123 = tpu.concatenate %slice3A_122, %broadcast_in_dim3A_37 in 1 : vector<18x223x96xbf16>, vector<18x1x96xbf16> -> vector<18x224x96xbf16>
    %reshape3A_124 = vector.shape_cast %concatenate3A_123 : vector<18x224x96xbf16> to vector<4032x96xbf16>
    %get3A_125 = arith.constant 8 : index
    %get3A_126 = arith.constant 0 : index
    %get3A_127 = arith.constant 0 : index
    %get3A_128 = vector.load %arg5[%get3A_125, %get3A_126, %get3A_127] : memref<9x96x96xbf16, #tpu.memory_space<vmem>>, vector<1x96x96xbf16>
    %get3A_129 = vector.shape_cast %get3A_128 : vector<1x96x96xbf16> to vector<96x96xbf16>
    %dot_general3A_130 = arith.constant dense<0.000000e+00> : vector<4032x96xf32>
    %dot_general3A_131 = tpu.matmul %reshape3A_124, %get3A_129, %dot_general3A_130 {dimension_numbers = #tpu.dot_dimension_numbers<[1], [0], [0], [1], [0, 0, 1, 1], [], []>, transpose_lhs_hint = false} : vector<4032x96xbf16>, vector<96x96xbf16>, vector<4032x96xf32> -> vector<4032x96xf32>
    %add3A_132 = arith.addf %add3A_121, %dot_general3A_131 : vector<4032x96xf32>
    %get3A_133 = arith.constant 0 : index
    %get3A_134 = arith.constant 0 : index
    %get3A_135 = vector.load %arg6[%get3A_133, %get3A_134] : memref<1x96xf32, #tpu.memory_space<vmem>>, vector<1x96xf32>
    %add3A_136 = vector.broadcast %get3A_135 : vector<1x96xf32> to vector<4032x96xf32>
    %add3A_137 = arith.addf %add3A_132, %add3A_136 : vector<4032x96xf32>
    %mul3A_138 = arith.constant 5.000000e-01 : f32
    %mul3A_139 = vector.broadcast %mul3A_138 : f32 to vector<4032x96xf32>
    %mul3A_140 = arith.mulf %mul3A_139, %add3A_137 : vector<4032x96xf32>
    %mul3A_141 = arith.constant 0.707106769 : f32
    %mul3A_142 = vector.broadcast %mul3A_141 : f32 to vector<4032x96xf32>
    %mul3A_143 = arith.mulf %add3A_137, %mul3A_142 : vector<4032x96xf32>
    %erf3A = math.erf %mul3A_143 : vector<4032x96xf32>
    %add3A_144 = arith.constant 1.000000e+00 : f32
    %add3A_145 = vector.broadcast %add3A_144 : f32 to vector<4032x96xf32>
    %add3A_146 = arith.addf %add3A_145, %erf3A : vector<4032x96xf32>
    %mul3A_147 = arith.mulf %mul3A_140, %add3A_146 : vector<4032x96xf32>
    %convert_element_type3A_148 = arith.truncf %mul3A_147 : vector<4032x96xf32> to vector<4032x96xbf16>
    %get3A_149 = arith.constant 0 : index
    %get3A_150 = arith.constant 0 : index
    %get3A_151 = vector.load %arg7[%get3A_149, %get3A_150] : memref<96x96xbf16, #tpu.memory_space<vmem>>, vector<96x96xbf16>
    %dot_general3A_152 = arith.constant dense<0.000000e+00> : vector<4032x96xf32>
    %dot_general3A_153 = tpu.matmul %convert_element_type3A_148, %get3A_151, %dot_general3A_152 {dimension_numbers = #tpu.dot_dimension_numbers<[1], [0], [0], [1], [0, 0, 1, 1], [], []>, transpose_lhs_hint = false} : vector<4032x96xbf16>, vector<96x96xbf16>, vector<4032x96xf32> -> vector<4032x96xf32>
    %get3A_154 = arith.constant 0 : index
    %get3A_155 = arith.constant 0 : index
    %get3A_156 = vector.load %arg8[%get3A_154, %get3A_155] : memref<1x96xf32, #tpu.memory_space<vmem>>, vector<1x96xf32>
    %add3A_157 = vector.broadcast %get3A_156 : vector<1x96xf32> to vector<4032x96xf32>
    %add3A_158 = arith.addf %dot_general3A_153, %add3A_157 : vector<4032x96xf32>
    %get3A_159 = arith.constant 0 : index
    %get3A_160 = arith.constant 0 : index
    %get3A_161 = vector.load %arg9[%get3A_159, %get3A_160] : memref<96x96xbf16, #tpu.memory_space<vmem>>, vector<96x96xbf16>
    %dot_general3A_162 = arith.constant dense<0.000000e+00> : vector<4032x96xf32>
    %dot_general3A_163 = tpu.matmul %convert_element_type3A_148, %get3A_161, %dot_general3A_162 {dimension_numbers = #tpu.dot_dimension_numbers<[1], [0], [0], [1], [0, 0, 1, 1], [], []>, transpose_lhs_hint = false} : vector<4032x96xbf16>, vector<96x96xbf16>, vector<4032x96xf32> -> vector<4032x96xf32>
    %get3A_164 = arith.constant 0 : index
    %get3A_165 = arith.constant 0 : index
    %get3A_166 = vector.load %arg10[%get3A_164, %get3A_165] : memref<1x96xf32, #tpu.memory_space<vmem>>, vector<1x96xf32>
    %add3A_167 = vector.broadcast %get3A_166 : vector<1x96xf32> to vector<4032x96xf32>
    %add3A_168 = arith.addf %dot_general3A_163, %add3A_167 : vector<4032x96xf32>
    %reshape3A_169 = vector.shape_cast %add3A_168 : vector<4032x96xf32> to vector<18x224x96xf32>
    %slice3A_170 = vector.extract_strided_slice %reshape3A_169 {offsets = [1, 0, 0], sizes = [16, 224, 96], strides = [1, 1, 1]} : vector<18x224x96xf32> to vector<16x224x96xf32>
    %convert_element_type3A_171 = arith.truncf %slice3A_170 : vector<16x224x96xf32> to vector<16x224x96xbf16>
    %swap3A = arith.constant 0 : index
    %swap3A_172 = arith.constant 0 : index
    %swap3A_173 = arith.constant 0 : index
    %swap3A_174 = arith.constant 0 : index
    %swap3A_175 = vector.load %arg16[%swap3A, %swap3A_172, %swap3A_173, %swap3A_174] : memref<1x16x224x96xbf16, #tpu.memory_space<vmem>>, vector<1x16x224x96xbf16>
    %swap3A_176 = vector.shape_cast %swap3A_175 : vector<1x16x224x96xbf16> to vector<16x224x96xbf16>
    %swap3A_177 = vector.shape_cast %convert_element_type3A_171 : vector<16x224x96xbf16> to vector<1x16x224x96xbf16>
    tpu.vector_store %arg16[%swap3A, %swap3A_172, %swap3A_173, %swap3A_174], %swap3A_177 {strides = array<i32>} : memref<1x16x224x96xbf16, #tpu.memory_space<vmem>>, vector<1x16x224x96xbf16>,
    %reshape3A_178 = vector.shape_cast %add3A_158 : vector<4032x96xf32> to vector<18x224x96xf32>
    %broadcast_in_dim3A_179 = arith.constant 0.000000e+00 : f32
    %broadcast_in_dim3A_180 = vector.broadcast %broadcast_in_dim3A_179 : f32 to vector<18x1x96xf32>
    %slice3A_181 = vector.extract_strided_slice %reshape3A_178 {offsets = [0, 0, 0], sizes = [18, 223, 96], strides = [1, 1, 1]} : vector<18x224x96xf32> to vector<18x223x96xf32>
    %concatenate3A_182 = tpu.concatenate %broadcast_in_dim3A_180, %slice3A_181 in 1 : vector<18x1x96xf32>, vector<18x223x96xf32> -> vector<18x224x96xf32>
    %get3A_183 = arith.constant 0 : index
    %get3A_184 = arith.constant 0 : index
    %get3A_185 = vector.load %arg11[%get3A_183, %get3A_184] : memref<3x96xf32, #tpu.memory_space<vmem>>, vector<1x96xf32>
    %reshape3A_186 = vector.shape_cast %get3A_185 : vector<1x96xf32> to vector<1x1x96xf32>
    %mul3A_187 = vector.broadcast %reshape3A_186 : vector<1x1x96xf32> to vector<18x224x96xf32>
    %mul3A_188 = arith.mulf %concatenate3A_182, %mul3A_187 : vector<18x224x96xf32>
    %get3A_189 = arith.constant 1 : index
    %get3A_190 = arith.constant 0 : index
    %get3A_191 = vector.load %arg11[%get3A_189, %get3A_190] : memref<3x96xf32, #tpu.memory_space<vmem>>, vector<1x96xf32>
    %reshape3A_192 = vector.shape_cast %get3A_191 : vector<1x96xf32> to vector<1x1x96xf32>
    %mul3A_193 = vector.broadcast %reshape3A_192 : vector<1x1x96xf32> to vector<18x224x96xf32>
    %mul3A_194 = arith.mulf %reshape3A_178, %mul3A_193 : vector<18x224x96xf32>
    %add3A_195 = arith.addf %mul3A_188, %mul3A_194 : vector<18x224x96xf32>
    %slice3A_196 = vector.extract_strided_slice %reshape3A_178 {offsets = [0, 1, 0], sizes = [18, 223, 96], strides = [1, 1, 1]} : vector<18x224x96xf32> to vector<18x223x96xf32>
    %concatenate3A_197 = tpu.concatenate %slice3A_196, %broadcast_in_dim3A_180 in 1 : vector<18x223x96xf32>, vector<18x1x96xf32> -> vector<18x224x96xf32>
    %get3A_198 = arith.constant 2 : index
    %get3A_199 = arith.constant 0 : index
    %get3A_200 = vector.load %arg11[%get3A_198, %get3A_199] : memref<3x96xf32, #tpu.memory_space<vmem>>, vector<1x96xf32>
    %reshape3A_201 = vector.shape_cast %get3A_200 : vector<1x96xf32> to vector<1x1x96xf32>
    %mul3A_202 = vector.broadcast %reshape3A_201 : vector<1x1x96xf32> to vector<18x224x96xf32>
    %mul3A_203 = arith.mulf %concatenate3A_197, %mul3A_202 : vector<18x224x96xf32>
    %add3A_204 = arith.addf %add3A_195, %mul3A_203 : vector<18x224x96xf32>
    %get3A_205 = arith.constant 0 : index
    %get3A_206 = arith.constant 0 : index
    %get3A_207 = vector.load %arg12[%get3A_205, %get3A_206] : memref<1x96xf32, #tpu.memory_space<vmem>>, vector<1x96xf32>
    %reshape3A_208 = vector.shape_cast %get3A_207 : vector<1x96xf32> to vector<1x1x96xf32>
    %add3A_209 = vector.broadcast %reshape3A_208 : vector<1x1x96xf32> to vector<18x224x96xf32>
    %add3A_210 = arith.addf %add3A_204, %add3A_209 : vector<18x224x96xf32>
    %mul3A_211 = arith.constant 16 : i32
    %mul3A_212 = arith.muli %arg1, %mul3A_211 : i32
    %sub3A_213 = arith.constant 1 : i32
    %sub3A_214 = arith.subi %mul3A_212, %sub3A_213 : i32
    %iota3A = tpu.iota {dimensions = array<i32: 0>} : vector<18x224xi32>
    %add3A_215 = vector.broadcast %sub3A_214 : i32 to vector<18x224xi32>
    %add3A_216 = arith.addi %iota3A, %add3A_215 : vector<18x224xi32>
    %ge3A = arith.constant 0 : i32
    %ge3A_217 = vector.broadcast %ge3A : i32 to vector<18x224xi32>
    %ge3A_218 = arith.cmpi sge, %add3A_216, %ge3A_217 : vector<18x224xi32>
    %lt3A = arith.constant 224 : i32
    %lt3A_219 = vector.broadcast %lt3A : i32 to vector<18x224xi32>
    %lt3A_220 = arith.cmpi slt, %add3A_216, %lt3A_219 : vector<18x224xi32>
    %and3A = arith.andi %ge3A_218, %lt3A_220 : vector<18x224xi1>
    %convert_element_type3A_221 = arith.extui %and3A : vector<18x224xi1> to vector<18x224xi32>
    %convert_element_type3A_222 = arith.sitofp %convert_element_type3A_221 : vector<18x224xi32> to vector<18x224xf32>
    %broadcast_in_dim3A_223 = vector.shape_cast %convert_element_type3A_222 : vector<18x224xf32> to vector<18x224x1xf32>
    %mul3A_224 = vector.broadcast %broadcast_in_dim3A_223 : vector<18x224x1xf32> to vector<18x224x96xf32>
    %mul3A_225 = arith.mulf %add3A_210, %mul3A_224 : vector<18x224x96xf32>
    %slice3A_226 = vector.extract_strided_slice %mul3A_225 {offsets = [0, 0, 0], sizes = [16, 224, 96], strides = [1, 1, 1]} : vector<18x224x96xf32> to vector<16x224x96xf32>
    %get3A_227 = arith.constant 0 : index
    %get3A_228 = arith.constant 0 : index
    %get3A_229 = vector.load %arg13[%get3A_227, %get3A_228] : memref<3x96xf32, #tpu.memory_space<vmem>>, vector<1x96xf32>
    %reshape3A_230 = vector.shape_cast %get3A_229 : vector<1x96xf32> to vector<1x1x96xf32>
    %mul3A_231 = vector.broadcast %reshape3A_230 : vector<1x1x96xf32> to vector<16x224x96xf32>
    %mul3A_232 = arith.mulf %slice3A_226, %mul3A_231 : vector<16x224x96xf32>
    %slice3A_233 = vector.extract_strided_slice %mul3A_225 {offsets = [1, 0, 0], sizes = [16, 224, 96], strides = [1, 1, 1]} : vector<18x224x96xf32> to vector<16x224x96xf32>
    %get3A_234 = arith.constant 1 : index
    %get3A_235 = arith.constant 0 : index
    %get3A_236 = vector.load %arg13[%get3A_234, %get3A_235] : memref<3x96xf32, #tpu.memory_space<vmem>>, vector<1x96xf32>
    %reshape3A_237 = vector.shape_cast %get3A_236 : vector<1x96xf32> to vector<1x1x96xf32>
    %mul3A_238 = vector.broadcast %reshape3A_237 : vector<1x1x96xf32> to vector<16x224x96xf32>
    %mul3A_239 = arith.mulf %slice3A_233, %mul3A_238 : vector<16x224x96xf32>
    %add3A_240 = arith.addf %mul3A_232, %mul3A_239 : vector<16x224x96xf32>
    %slice3A_241 = vector.extract_strided_slice %mul3A_225 {offsets = [2, 0, 0], sizes = [16, 224, 96], strides = [1, 1, 1]} : vector<18x224x96xf32> to vector<16x224x96xf32>
    %get3A_242 = arith.constant 2 : index
    %get3A_243 = arith.constant 0 : index
    %get3A_244 = vector.load %arg13[%get3A_242, %get3A_243] : memref<3x96xf32, #tpu.memory_space<vmem>>, vector<1x96xf32>
    %reshape3A_245 = vector.shape_cast %get3A_244 : vector<1x96xf32> to vector<1x1x96xf32>
    %mul3A_246 = vector.broadcast %reshape3A_245 : vector<1x1x96xf32> to vector<16x224x96xf32>
    %mul3A_247 = arith.mulf %slice3A_241, %mul3A_246 : vector<16x224x96xf32>
    %add3A_248 = arith.addf %add3A_240, %mul3A_247 : vector<16x224x96xf32>
    %get3A_249 = arith.constant 0 : index
    %get3A_250 = arith.constant 0 : index
    %get3A_251 = vector.load %arg14[%get3A_249, %get3A_250] : memref<1x96xf32, #tpu.memory_space<vmem>>, vector<1x96xf32>
    %reshape3A_252 = vector.shape_cast %get3A_251 : vector<1x96xf32> to vector<1x1x96xf32>
    %add3A_253 = vector.broadcast %reshape3A_252 : vector<1x1x96xf32> to vector<16x224x96xf32>
    %add3A_254 = arith.addf %add3A_248, %add3A_253 : vector<16x224x96xf32>
    %mul3A_255 = arith.constant 5.000000e-01 : f32
    %mul3A_256 = vector.broadcast %mul3A_255 : f32 to vector<16x224x96xf32>
    %mul3A_257 = arith.mulf %mul3A_256, %add3A_254 : vector<16x224x96xf32>
    %mul3A_258 = arith.constant 0.707106769 : f32
    %mul3A_259 = vector.broadcast %mul3A_258 : f32 to vector<16x224x96xf32>
    %mul3A_260 = arith.mulf %add3A_254, %mul3A_259 : vector<16x224x96xf32>
    %erf3A_261 = math.erf %mul3A_260 : vector<16x224x96xf32>
    %add3A_262 = arith.constant 1.000000e+00 : f32
    %add3A_263 = vector.broadcast %add3A_262 : f32 to vector<16x224x96xf32>
    %add3A_264 = arith.addf %add3A_263, %erf3A_261 : vector<16x224x96xf32>
    %mul3A_265 = arith.mulf %mul3A_257, %add3A_264 : vector<16x224x96xf32>
    %convert_element_type3A_266 = arith.truncf %mul3A_265 : vector<16x224x96xf32> to vector<16x224x96xbf16>
    %swap3A_267 = arith.constant 0 : index
    %swap3A_268 = arith.constant 0 : index
    %swap3A_269 = arith.constant 0 : index
    %swap3A_270 = arith.constant 0 : index
    %swap3A_271 = vector.load %arg15[%swap3A_267, %swap3A_268, %swap3A_269, %swap3A_270] : memref<1x16x224x96xbf16, #tpu.memory_space<vmem>>, vector<1x16x224x96xbf16>
    %swap3A_272 = vector.shape_cast %swap3A_271 : vector<1x16x224x96xbf16> to vector<16x224x96xbf16>
    %swap3A_273 = vector.shape_cast %convert_element_type3A_266 : vector<16x224x96xbf16> to vector<1x16x224x96xbf16>
    tpu.vector_store %arg15[%swap3A_267, %swap3A_268, %swap3A_269, %swap3A_270], %swap3A_273 {strides = array<i32>} : memref<1x16x224x96xbf16, #tpu.memory_space<vmem>>, vector<1x16x224x96xbf16>,
    %reduce_sum3A_274 = arith.constant dense<0.000000e+00> : vector<224x96xf32>
    %reduce_sum3A_275 = vector.multi_reduction <add>, %mul3A_265, %reduce_sum3A_274 [0] : vector<16x224x96xf32> to vector<224x96xf32>
    %reduce_sum3A_276 = arith.constant dense<0.000000e+00> : vector<96xf32>
    %reduce_sum3A_277 = vector.multi_reduction <add>, %reduce_sum3A_275, %reduce_sum3A_276 [0] : vector<224x96xf32> to vector<96xf32>
    %reshape3A_278 = vector.shape_cast %reduce_sum3A_277 : vector<96xf32> to vector<1x96xf32>
    %broadcast_in_dim3A_279 = vector.shape_cast %reshape3A_278 : vector<1x96xf32> to vector<1x96xf32>
    %broadcast_in_dim3A_280 = vector.broadcast %broadcast_in_dim3A_279 : vector<1x96xf32> to vector<8x96xf32>
    %eq3A = arith.constant 0 : i32
    %eq3A_281 = arith.cmpi eq, %arg1, %eq3A : i32
    %convert_element_type3A_282 = arith.extui %eq3A_281 : i1 to i32
    %cond3A = arith.constant 0 : i32
    %cond3A_283 = arith.cmpi ne, %convert_element_type3A_282, %cond3A : i32
    scf.if %cond3A_283 {
      %swap3A_288 = arith.constant 0 : index
      %swap3A_289 = arith.constant 0 : index
      %swap3A_290 = arith.constant 0 : index
      %swap3A_291 = vector.load %arg17[%swap3A_288, %swap3A_289, %swap3A_290] : memref<1x8x96xf32, #tpu.memory_space<vmem>>, vector<1x8x96xf32>
      %swap3A_292 = vector.shape_cast %swap3A_291 : vector<1x8x96xf32> to vector<8x96xf32>
      %swap3A_293 = vector.shape_cast %broadcast_in_dim3A_280 : vector<8x96xf32> to vector<1x8x96xf32>
      tpu.vector_store %arg17[%swap3A_288, %swap3A_289, %swap3A_290], %swap3A_293 {strides = array<i32>} : memref<1x8x96xf32, #tpu.memory_space<vmem>>, vector<1x8x96xf32>,
    } else {
    }
    %ne3A = arith.constant 0 : i32
    %ne3A_284 = arith.cmpi ne, %arg1, %ne3A : i32
    %convert_element_type3A_285 = arith.extui %ne3A_284 : i1 to i32
    %cond3A_286 = arith.constant 0 : i32
    %cond3A_287 = arith.cmpi ne, %convert_element_type3A_285, %cond3A_286 : i32
    scf.if %cond3A_287 {
      %get3A_288 = arith.constant 0 : index
      %get3A_289 = arith.constant 0 : index
      %get3A_290 = arith.constant 0 : index
      %get3A_291 = vector.load %arg17[%get3A_288, %get3A_289, %get3A_290] : memref<1x8x96xf32, #tpu.memory_space<vmem>>, vector<1x8x96xf32>
      %get3A_292 = vector.shape_cast %get3A_291 : vector<1x8x96xf32> to vector<8x96xf32>
      %add3A_293 = arith.addf %get3A_292, %broadcast_in_dim3A_280 : vector<8x96xf32>
      %swap3A_294 = arith.constant 0 : index
      %swap3A_295 = arith.constant 0 : index
      %swap3A_296 = arith.constant 0 : index
      %swap3A_297 = vector.load %arg17[%swap3A_294, %swap3A_295, %swap3A_296] : memref<1x8x96xf32, #tpu.memory_space<vmem>>, vector<1x8x96xf32>
      %swap3A_298 = vector.shape_cast %swap3A_297 : vector<1x8x96xf32> to vector<8x96xf32>
      %swap3A_299 = vector.shape_cast %add3A_293 : vector<8x96xf32> to vector<1x8x96xf32>
      tpu.vector_store %arg17[%swap3A_294, %swap3A_295, %swap3A_296], %swap3A_299 {strides = array<i32>} : memref<1x8x96xf32, #tpu.memory_space<vmem>>, vector<1x8x96xf32>,
    } else {
    }
    return
  }
  func.func @transform_1(%arg0: i32, %arg1: i32) -> (i32, i32) {
    %c0_i32 = arith.constant 0 : i32
    %c0_i32_0 = arith.constant 0 : i32
    %c0_i32_1 = arith.constant 0 : i32
    return %c0_i32, %c0_i32_0 : i32, i32
  }
  func.func @transform_2(%arg0: i32, %arg1: i32) -> (i32, i32) {
    %c0_i32 = arith.constant 0 : i32
    %c0_i32_0 = arith.constant 0 : i32
    %c0_i32_1 = arith.constant 0 : i32
    return %c0_i32, %c0_i32_0 : i32, i32
  }
  func.func @transform_3(%arg0: i32, %arg1: i32) -> (i32, i32, i32) {
    %c0_i32 = arith.constant 0 : i32
    %c0_i32_0 = arith.constant 0 : i32
    %c0_i32_1 = arith.constant 0 : i32
    %c0_i32_2 = arith.constant 0 : i32
    return %c0_i32, %c0_i32_0, %c0_i32_1 : i32, i32, i32
  }
  func.func @transform_4(%arg0: i32, %arg1: i32) -> (i32, i32) {
    %c0_i32 = arith.constant 0 : i32
    %c0_i32_0 = arith.constant 0 : i32
    %c0_i32_1 = arith.constant 0 : i32
    return %c0_i32, %c0_i32_0 : i32, i32
  }
  func.func @transform_5(%arg0: i32, %arg1: i32) -> (i32, i32) {
    %c0_i32 = arith.constant 0 : i32
    %c0_i32_0 = arith.constant 0 : i32
    %c0_i32_1 = arith.constant 0 : i32
    return %c0_i32, %c0_i32_0 : i32, i32
  }
  func.func @transform_6(%arg0: i32, %arg1: i32) -> (i32, i32) {
    %c0_i32 = arith.constant 0 : i32
    %c0_i32_0 = arith.constant 0 : i32
    %c0_i32_1 = arith.constant 0 : i32
    return %c0_i32, %c0_i32_0 : i32, i32
  }
  func.func @transform_7(%arg0: i32, %arg1: i32) -> (i32, i32) {
    %c0_i32 = arith.constant 0 : i32
    %c0_i32_0 = arith.constant 0 : i32
    %c0_i32_1 = arith.constant 0 : i32
    return %c0_i32, %c0_i32_0 : i32, i32
  }
  func.func @transform_8(%arg0: i32, %arg1: i32) -> (i32, i32) {
    %c0_i32 = arith.constant 0 : i32
    %c0_i32_0 = arith.constant 0 : i32
    %c0_i32_1 = arith.constant 0 : i32
    return %c0_i32, %c0_i32_0 : i32, i32
  }
  func.func @transform_9(%arg0: i32, %arg1: i32) -> (i32, i32) {
    %c0_i32 = arith.constant 0 : i32
    %c0_i32_0 = arith.constant 0 : i32
    %c0_i32_1 = arith.constant 0 : i32
    return %c0_i32, %c0_i32_0 : i32, i32
  }
  func.func @transform_10(%arg0: i32, %arg1: i32) -> (i32, i32) {
    %c0_i32 = arith.constant 0 : i32
    %c0_i32_0 = arith.constant 0 : i32
    %c0_i32_1 = arith.constant 0 : i32
    return %c0_i32, %c0_i32_0 : i32, i32
  }
  func.func @transform_11(%arg0: i32, %arg1: i32) -> (i32, i32) {
    %c0_i32 = arith.constant 0 : i32
    %c0_i32_0 = arith.constant 0 : i32
    %c0_i32_1 = arith.constant 0 : i32
    return %c0_i32, %c0_i32_0 : i32, i32
  }
  func.func @transform_12(%arg0: i32, %arg1: i32) -> (i32, i32) {
    %c0_i32 = arith.constant 0 : i32
    %c0_i32_0 = arith.constant 0 : i32
    %c0_i32_1 = arith.constant 0 : i32
    return %c0_i32, %c0_i32_0 : i32, i32
  }
  func.func @transform_13(%arg0: i32, %arg1: i32) -> (i32, i32, i32, i32) {
    %c0_i32 = arith.constant 0 : i32
    %c0_i32_0 = arith.constant 0 : i32
    %c0_i32_1 = arith.constant 0 : i32
    return %arg0, %arg1, %c0_i32, %c0_i32_0 : i32, i32, i32, i32
  }
  func.func @transform_14(%arg0: i32, %arg1: i32) -> (i32, i32, i32, i32) {
    %c0_i32 = arith.constant 0 : i32
    %c0_i32_0 = arith.constant 0 : i32
    %c0_i32_1 = arith.constant 0 : i32
    return %arg0, %arg1, %c0_i32, %c0_i32_0 : i32, i32, i32, i32
  }
  func.func @transform_15(%arg0: i32, %arg1: i32) -> (i32, i32, i32) {
    %c0_i32 = arith.constant 0 : i32
    %c0_i32_0 = arith.constant 0 : i32
    %c0_i32_1 = arith.constant 0 : i32
    return %arg0, %c0_i32, %c0_i32_0 : i32, i32, i32
  }
}

</mosaic_0001>

<sc_bundles>
// kernel: sparse-core-data-format-call.cloned.1.call-start
scs
called_computation_lowered:
.L_overlay_start_0:
0x0: {  	s2 =	sld [smem:$0x3FD9]  }
0x1: {  	s3 =	sld [smem:$0x3FFE];
	_ =	sdelay $0x1  }
0x2: {  	s1 =	srdreg.scid  }
0x3: {  	s0 =	sand.u32 $0x1, s1  }
0x4: {  	s18 =	sshll.u32 s0, $0xA;
	s2 =	sadd.s32 s3, s2  }
0x5: {  	s2 =	sadd.s32 s2, s18  }
0x6: {  	[smem:$0x3FA8] =	sst s2  }
0x7: {  	_ = 	snop  }
0x8: {  	s2 =	sld [smem:$0x3FD0];
	(tm) =	ssettm $0x1  }
0x9: {  	s19 =	sld [smem:$0x3FFB];
	_ =	sdelay $0x3  }
0xa: {  	_ =	strace s19  }
0xb: {  	s3 =	sld [smem:$0x3FFC];
	_ =	sdelay $0x3  }
0xc: {  	_ =	strace s3  }
0xd: {  	s3 =	sld [smem:$0x3FFD];
	_ =	sdelay $0x3  }
0xe: {  	_ =	strace s3  }
0xf: {  	_ =	strace $0x8FFFFFFF  }
0x10: {  	s20 =	sld [smem:$0x3FDB];
	_ =	sdelay $0x1  }
0x11: {  	s4 =	simm.s32 $_scs_section_size  }
0x12: {  	s5 =	simm.s32 $_size__tile_overlayer_lowered;
	s6 =	simm.s32 $_tile_overlayer_lowered  }
0x13: {  	s23 =	simm.s32 $0x1BFF;
	s22 =	sshll.u32 s6, $0x1;
	s3 =	sadd.s32 s4, s20  }
0x14: {  	s7 =	simm.s32 $0x0;
	s21 =	sshll.u32 s5, $0x1;
	s5 =	sadd.s32 s22, s3  }
0x15: {  	[timem:s7], [sflag:s23] =	dma.local [hbm:s5], s21  }
0x16: {  	_ =	swait.ge [sflag:s23], s21  }
0x17: {  	s4 =	ssub.s32 $0x0, s21;
	[sflag:s23] =	ssyncset.done $0x0  }
0x18: {  	[sflag:s23] =	ssyncadd.s32 s4;
	_ =	sdelay $0x1  }
0x19: {  	s24 =	simm.s32 $0x1B8B  }
0x1a: {  	_ =	swait.ge [sflag:s24], $0x1  }
0x1b: {  	[sflag:s24] =	ssyncset.done $0x0  }
0x1c: {  	s26 =	simm.s32 $0x1B8E;
	s25 =	sld [smem:$0x3FFE];
	[sflag:s24] =	ssyncadd.s32 $0xFFFFFFFF  }
0x1d: {  	s27 =	simm.s32 $execute0_lowered;
	[smem:$0x3FD2] =	sst s26  }
0x1e: {  	s5 =	sshll.u32 s27, $0x1;
	_ =	strace $0x80000046;
	[dreg:$0x1] =	wrdreg $0xFFFFFFFF  }
0x1f: {  	s28 =	simm.s32 $_size_execute0_lowered;
	s3 =	sadd.s32 s3, s5;
	[dreg:$0x0] =	wrdreg $0x0  }
0x20: {  	s5 =	sshll.u32 s28, $0x1;
	[dreg:$0x2] =	wrdreg s3  }
0x21: {  	[dreg:$0x3] =	wrdreg s5  }
0x22: {  	[dreg:$0x4] =	wrdreg $0xC0  }
0x23: {  	_ =	task [dreg:s7], $0x5FFFF  }
0x24: {  	[dreg:$0x1] =	wrdreg $0xFFFFFFFF  }
0x25: {  	[dreg:$0x0] =	wrdreg $0x60  }
0x26: {  	[dreg:$0x2] =	wrdreg s25  }
0x27: {  	[dreg:$0x3] =	wrdreg s2  }
0x28: {  	[dreg:$0x4] =	wrdreg $0x9  }
0x29: {  	_ =	task.clear_ibuf [dreg:s7], $0x5FFFF;
	_ =	strace $0x90000046  }
0x2a: {  	s29 =	simm.s32 $0x9;
	_ =	strace $0x80000048  }
0x2b: {  	_ =	swait.ge [sflag:s29], $0x1  }
0x2c: {  	[sflag:s29] =	ssyncadd.s32 $0xFFFFFFFF  }
0x2d: {  	_ =	strace $0x90000048  }
0x2e: {  	_ =	sfence  }
0x2f: {  	s30 =	sld [smem:$0x0];
	_ =	sdelay $0x2  }
0x30: {  	s31 =	sshll.u32 s1, $0xD;
	s1 =	sshrl.u32 s1, $0x2  }
0x31: {  	s3 =	sand.u32 $0x4000, s31;
	s1 =	sadd.s32 s1, s30  }
0x32: {  	s0 =	sor.u32 s3, s0;
	s1 =	sshll.u32 s1, $0x11  }
0x33: {  	s0 =	sor.u32 s1, s0  }
0x34: {  	s0 =	sadd.s32 $0x8F2B, s0  }
0x35: {  	[sflag:s0] =	ssyncadd.remote.s32 $0x1  }
0x36: {  	_ =	sfence.sel $0xFFFF  }
0x37: {  	[dreg:$0x0] =	wrdreg $0xFFFFFFFF;
	(pc) =	sbr.abs _section_cstart, $3  }
0x38: {  	[dreg:$0x1] =	wrdreg $0xFFFFFFFF  }
0x39: {  	_ =	task.clear_ibuf [dreg:s7], $0x2FFFF;
	_ =	strace $0x9FFFFFFF  }
0x3a: {  	(tm) =	ssettm $0x7FFFFFFF  }
0x3b: {  	_ =	shalt  }
tec
execute0_lowered:
.L_overlay_start_1:
0x0: {  	(tag) =	ssettag $0x1  }
0x1: {  	s0 =	rddreg [dreg:$0x0];
	s4 =	stileid.u32;
	_ =	strace $0x80000047  }
0x2: {  	s2 =	srdreg.scid;
	s30 =	simm.s32 $0x1;
	s31 =	simm.s32 $0x2  }
0x3: {  	s18 =	simm.s32 $0x0;
	s19 =	simm.s32 $0x0;
	s20 =	simm.s32 $0x0  }
0x4: {  	s10 =	simm.s32 $0x0;
	s11 =	simm.s32 $0x0;
	s17 =	simm.s32 $0x0  }
0x5: {  	s12 =	simm.s32 $0x0;
	s6 =	sand.u32 $0x1, s4;
	s29 =	sshll.u32 s2, $0x4  }
0x6: {  	s7 =	sadd.s32 $0x18C800, s0;
	s1 =	ssub.s32 $0x2, s6;
	s0 =	sand.u32 $0x10, s29  }
0x7: {  	[dreg:$0x3] =	wrdreg s6;
	s3 =	sshrl.u32 s1, $0x1;
	s1 =	sand.u32 $0x1, s1  }
.Ltmp0:
0x8: {  	s0 =	sor.u32 s4, s0;
	s1 =	sadd.s32 s1, s3;
	(pc) =	sbr.rel .LBB1_1-.Ltmp0, $4  }
0x9: {  	[dreg:$0x4] =	wrdreg s7;
	s9 =	sshrl.u32 s0, $0x1;
	s8 =	smul.u32 $0x1C, s1  }
0xa: {  	s16 =	simm.s32 $0x0;
	[sflag:s30] =	ssyncpa.u1 $0x0;
	[dreg:$0x6] =	wrdreg s9  }
0xb: {  	[sflag:s31] =	ssyncpa.u1 $0x0;
	s13 =	sor.u32 $0x1, s8;
	[dreg:$0x5] =	wrdreg s8  }
0xc: {  	s15 =	smov.u32 s6;
	s14 =	smov.u32 s9;
	[dreg:$0x7] =	wrdreg s13  }
.LBB1_13:
0xd: {  	s4 =	rddreg [dreg:$0xd]  }
0xe: {  	s23 =	rddreg [dreg:$0xc]  }
0xf: {  	s17 =	rddreg [dreg:$0x8]  }
0x10: {  	s26 =	rddreg [dreg:$0x1]  }
0x11: {  	s29 =	rddreg [dreg:$0xe]  }
0x12: {  	s0 =	sshll.u32 s11, $0x8;
	s1 =	sshll.u32 s10, $0x3;
	s6 =	rddreg [dreg:$0x3]  }
0x13: {  	p0 =	sgt.s32 s10, $0x80;
	s2 =	smov.u32 s10;
	s7 =	rddreg [dreg:$0x4]  }
0x14: {  	s3 =	sshll.u32 s11, $0x7;
	s24 =	sand.u32 $0x78, s10;
	s8 =	rddreg [dreg:$0x5]  }
0x15: {  	s27 =	sand.u32 $0x7, s10;
	s31 =	simm.s32 $0xE000;
	s9 =	rddreg [dreg:$0x6]  }
0x16: {  	s0 =	sand.u32 $0xFFFFF800, s0;
	s1 =	sand.u32 $0xFFFFFC00, s1;
	s2 =	simm.s32 @!p0 $0x80  }
0x17: {  	s20 =	sand.u32 $0x300, s3;
	s0 =	sadd.s32 s0, s1;
	s2 =	sadd.s32 s4, s2  }
0x18: {  	s5 =	smul.u32 $0xA8000, s17;
	s0 =	sor.u32 s20, s0;
	s21 =	sadd.s32 $0xFFFFFF80, s2  }
0x19: {  	s1 =	ssub.s32 $0x100, s2;
	s0 =	sshrl.u32 s0, $0x8;
	p0 =	sgt.s32 s21, $0x7F  }
0x1a: {  	s13 =	rddreg [dreg:$0x7];
	s22 =	smulhi.u32 $0x124924A, s0;
	s1 =	simm.s32 @p0 $0x0  }
0x1b: {  	s18 =	rddreg [dreg:$0x9];
	s3 =	sand.u32 $0x80, s3;
	s1 =	smul.u32 s1, s23  }
0x1c: {  	s19 =	rddreg [dreg:$0xa];
	s3 =	sor.u32 s24, s3;
	s2 =	smul.u32 $0xE0, s22  }
0x1d: {  	s28 =	sshll.u32 s27, $0x12;
	s4 =	sor.u32 $0x8000, s29;
	s25 =	sshrl.u32 s3, $0x3  }
0x1e: {  	s3 =	sadd.s32 s26, s5;
	s1 =	smul.u32 $0x60, s1;
	s0 =	ssub.s32 s0, s2  }
0x1f: {  	s30 =	sor.u32 $0x80, s28;
	s2 =	sadd.s32 s25, s3;
	s0 =	sshll.u32 s0, $0x5  }
0x20: {  	s20 =	rddreg [dreg:$0xb];
	s1 =	sand.u32 $0x3FFFFFE0, s1;
	s0 =	sadd.s32 s0, s2  }
0x21: {  	[hbm4b:s0+s30] =	stream.strided.scatter [tilespmem:s4], [sflag:$0x2], s1, s31, s30, $0x20;
	[tilespmem:$0x10100] =	vst v63  }
.LBB1_14:
0x22: {  	p0 =	slt.u32 s16, $0x2  }
0x23: {  	s0 =	smov.u32 s20;
	s2 =	smov.u32 s19;
	p1 =	sgt.s32 @!p0 s20, $0x1  }
0x24: {  	s1 =	sshra.s32 @!p0 s20, $0x1F;
	s3 =	sshra.s32 @!p0 s19, $0x1F;
	p1 =	por !p1, p0  }
0x25: {  	s1 =	sand.u32 @!p0 s1, s20;
	s0 =	simm.s32 @p1 $0x1;
	p1 =	sgt.s32 @!p0 s19, $0xDF  }
0x26: {  	p2 =	sgt.s32 @!p0 s18, $0x80;
	s1 =	sxor.u32 @!p0 $0xFFFFFFFF, s1;
	p1 =	por !p1, p0  }
0x27: {  	s0 =	sadd.s32 @!p0 s1, s0;
	s1 =	sand.u32 @!p0 s3, s19;
	s2 =	simm.s32 @p1 $0xDF  }
0x28: {  	p2 =	por !p2, p0;
	s3 =	smov.u32 s18;
	s1 =	ssub.s32 @!p0 s2, s1  }
0x29: {  	p1 =	sgt.s32 @!p0 s0, $0x0;
	s0 =	ssub.s32 @!p0 $0x1, s0;
	s2 =	sadd.s32 @!p0 $0xFFFFFF21, s1  }
0x2a: {  	s3 =	simm.s32 @p2 $0x80;
	p2 =	sgt.s32 @!p0 s2, $0x0;
	s2 =	sshra.s32 @!p0 s18, $0x1F  }
0x2b: {  	s0 =	smul.u32 @!p0 $0x60, s0;
	p1 =	por !p1, p0;
	s2 =	sand.u32 @!p0 s2, s18  }
0x2c: {  	s1 =	ssub.s32 @!p0 $0xE0, s1;
	p2 =	por !p2, p0;
	s2 =	ssub.s32 @!p0 s3, s2  }
0x2d: {  	s0 =	simm.s32 @!p1 $0x0;
	s1 =	simm.s32 @!p2 $0x0;
	s3 =	sadd.s32 @!p0 $0xFFFFFF80, s2  }
0x2e: {  	s4 =	smov.u32 s14;
	s0 =	smul.u32 @!p0 s0, s1;
	p1 =	sgt.s32 @!p0 s3, $0x7F  }
0x2f: {  	s1 =	ssub.s32 @!p0 $0x100, s2;
	s2 =	sadd.s32 $0x80, s12;
	p1 =	por !p1, p0  }
0x30: {  	s3 =	sadd.s32 $0x10, s14;
	s1 =	simm.s32 @!p1 $0x0;
	p1 =	sgt.s32 s2, $0xDF  }
0x31: {  	s0 =	smul.u32 @!p0 s1, s0;
	s4 =	smov.u32 @p1 s3  }
0x32: {  	s1 =	sadd.s32 $0x2, s15;
	s3 =	smov.u32 s15;
	p2 =	sgt.s32 s4, $0xDF  }
0x33: {  	s20 =	smov.u32 s17;
	s3 =	smov.u32 @p2 s1  }
0x34: {  	s17 =	smov.u32 s15;
	s2 =	simm.s32 @p1 $0x0;
	p1 =	sgt.s32 s3, $0x1  }
0x35: {  	s19 =	smov.u32 s11;
	s3 =	smov.u32 @p1 s6;
	p1 =	sne.s32 s16, s13  }
.Ltmp1:
0x36: {  	s11 =	smov.u32 s14;
	s18 =	smov.u32 s10;
	(pc) =	sbr.rel @!p1 .LBB1_15-.Ltmp1, $4  }
0x37: {  	s10 =	smov.u32 s12;
	s0 =	sand.u32 @!p0 $0x3FFFFFE0, s0;
	s1 =	simm.s32 @!p0 $0x2  }
0x38: {  	s12 =	smov.u32 s2;
	s4 =	smov.u32 @p2 s9;
	_ =	swait.ge @!p0 [sflag:s1], s0  }
0x39: {  	s0 =	ssub.s32 @!p0 $0x0, s0;
	s14 =	smov.u32 s4;
	[sflag:s1] =	ssyncset.done @!p0 $0x0  }
0x3a: {  	s16 =	sadd.s32 $0x1, s16;
	[sflag:s1] =	ssyncadd.s32 @!p0 s0;
	s15 =	smov.u32 s3  }
.LBB1_1:
0x3b: {  	p0 =	sge.u32 s16, s8;
	s2 =	smov.u32 s15;
	s4 =	smov.u32 s14  }
0x3c: {  	s31 =	sadd.s32 $0xFFFFFFFF, s16;
	s0 =	sand.u32 @!p0 $0x1FFFFFF, s12;
	p1 =	sgt.s32 @!p0 s15, $0x1  }
0x3d: {  	s3 =	sshra.s32 @!p0 s15, $0x1F;
	s5 =	sshra.s32 @!p0 s14, $0x1F;
	s1 =	smulhi.u32 @!p0 $0x2492493, s0  }
0x3e: {  	p1 =	por !p1, p0;
	s3 =	sand.u32 @!p0 s3, s15;
	s5 =	sand.u32 @!p0 s5, s14  }
0x3f: {  	s2 =	simm.s32 @p1 $0x1;
	p1 =	sgt.s32 @!p0 s14, $0xDF;
	s3 =	sxor.u32 @!p0 $0xFFFFFFFF, s3  }
0x40: {  	s1 =	sshrl.u32 @!p0 s1, $0x1;
	p1 =	por !p1, p0;
	s2 =	sadd.s32 @!p0 s3, s2  }
0x41: {  	s1 =	smul.u32 @!p0 $0xE0, s1;
	s4 =	simm.s32 @p1 $0xDF;
	p1 =	sgt.s32 @!p0 s12, $0x60  }
0x42: {  	p2 =	sgt.s32 @!p0 s2, $0x0;
	s2 =	sshll.u32 @!p0 s2, $0x7;
	s3 =	ssub.s32 @!p0 s4, s5  }
0x43: {  	p1 =	por !p1, p0;
	s4 =	smov.u32 s12;
	s5 =	sadd.s32 @!p0 $0xFFFFFF21, s3  }
0x44: {  	s4 =	simm.s32 @p1 $0x60;
	p1 =	sgt.s32 @!p0 s5, $0x0;
	s5 =	sshra.s32 @!p0 s12, $0x1F  }
0x45: {  	s2 =	ssub.s32 @!p0 $0x80, s2;
	p2 =	por !p2, p0;
	s5 =	sand.u32 @!p0 s5, s12  }
0x46: {  	s3 =	ssub.s32 @!p0 $0xE0, s3;
	p1 =	por !p1, p0;
	s4 =	ssub.s32 @!p0 s4, s5  }
0x47: {  	s2 =	simm.s32 @!p2 $0x0;
	s3 =	simm.s32 @!p1 $0x0;
	s5 =	sadd.s32 @!p0 $0xFFFFFFA0, s4  }
0x48: {  	s0 =	ssub.s32 @!p0 s0, s1;
	s2 =	smul.u32 @!p0 s3, s2;
	p1 =	sgt.s32 @!p0 s5, $0x7F  }
0x49: {  	s3 =	ssub.s32 @!p0 $0xE0, s4;
	s4 =	smul.u32 @!p0 $0xC4000, s15;
	p1 =	por !p1, p0  }
0x4a: {  	s1 =	smul.u32 @!p0 $0xE00, s14;
	s5 =	sxor.u32 @!p0 $0xFFFFFFFF, s16;
	s3 =	simm.s32 @!p1 $0x0  }
0x4b: {  	s5 =	sshll.u32 @!p0 s5, $0xE;
	s2 =	smul.u32 @!p0 s3, s2;
	s3 =	sadd.s32 @!p0 s7, s4  }
0x4c: {  	s0 =	sshll.u32 @!p0 s0, $0x4;
	s4 =	sand.u32 @!p0 $0x4000, s5;
	s1 =	sadd.s32 @!p0 s1, s3  }
0x4d: {  	s2 =	sand.u32 @!p0 $0x3FFFFF80, s2;
	s0 =	sadd.s32 @!p0 s0, s1;
	s1 =	simm.s32 @!p0 $0x0  }
0x4e: {  	[tilespmem:s4], [sflag:$0x1] =	stream.linear.gather @!p0 [hbm4b:s0+s1], s2, $0x38;
	[tilespmem:$0x10100] =	vst v63  }
0x4f: {  	p0 =	sge.u32 s31, s8  }
.Ltmp2:
0x50: {  	_ = 	snop;
	(pc) =	sbr.rel @p0 .LBB1_14-.Ltmp2, $1  }
0x51: {  	_ =	sdelay $0x3  }
0x52: {  	p0 =	sgt.s32 s17, $0x1  }
0x53: {  	s0 =	sshra.s32 s17, $0x1F;
	p1 =	sgt.s32 s11, $0xDF;
	s1 =	smov.u32 s11  }
0x54: {  	s2 =	sshra.s32 s11, $0x1F;
	s3 =	smov.u32 s17;
	s24 =	ssub.s32 $0x0, s10  }
0x55: {  	s25 =	sshra.s32 s10, $0x1F;
	p2 =	sgt.s32 s10, $0x60;
	s4 =	smov.u32 s10  }
0x56: {  	s0 =	sand.u32 s0, s17;
	s1 =	simm.s32 @!p1 $0xDF;
	s2 =	sand.u32 s2, s11  }
0x57: {  	s3 =	simm.s32 @!p0 $0x1;
	s0 =	sxor.u32 $0xFFFFFFFF, s0;
	s1 =	ssub.s32 s1, s2  }
0x58: {  	s4 =	simm.s32 @!p2 $0x60;
	s0 =	sadd.s32 s0, s3;
	s2 =	sadd.s32 $0xFFFFFF21, s1  }
0x59: {  	s1 =	ssub.s32 $0xE0, s1;
	p0 =	sgt.s32 s0, $0x0;
	s0 =	ssub.s32 $0x1, s0  }
0x5a: {  	p1 =	sgt.s32 s2, $0x0;
	s2 =	sand.u32 s24, s25;
	s0 =	simm.s32 @p0 $0x0  }
0x5b: {  	s1 =	simm.s32 @p1 $0x0;
	[dreg:$0xd] =	wrdreg s2;
	s2 =	sadd.s32 s2, s4  }
0x5c: {  	s26 =	smul.u32 s0, s1;
	s27 =	sadd.s32 $0xFFFFFFA0, s2  }
0x5d: {  	s0 =	ssub.s32 $0xE0, s2;
	s1 =	sadd.s32 $0x1, s17;
	p0 =	sgt.s32 s27, $0x7F  }
0x5e: {  	s2 =	sadd.s32 $0x1, s11;
	s0 =	simm.s32 @p0 $0x0;
	p0 =	slt.s32 s1, $0x2  }
0x5f: {  	s1 =	simm.s32 @!p0 $0x2;
	p0 =	slt.s32 s2, $0xE0  }
0x60: {  	s23 =	ssub.s32 s1, s17;
	s2 =	simm.s32 @!p0 $0xE0;
	s1 =	sadd.s32 $0x80, s10  }
0x61: {  	s24 =	ssub.s32 s2, s11;
	p1 =	slt.s32 s1, $0xE0;
	p0 =	slt.s32 s23, $0x1  }
0x62: {  	[dreg:$0xb] =	wrdreg s20;
	s1 =	simm.s32 @!p1 $0xE0;
	p1 =	slt.s32 @!p0 s24, $0x1  }
0x63: {  	[dreg:$0xa] =	wrdreg s19;
	s25 =	ssub.s32 s1, s10;
	p1 =	por p0, p1  }
0x64: {  	[dreg:$0x9] =	wrdreg s18;
	s0 =	smul.u32 s0, s26;
	p2 =	slt.s32 @!p1 s25, $0x1  }
0x65: {  	[dreg:$0x8] =	wrdreg s17;
	p1 =	por p1, p2  }
.Ltmp3:
0x66: {  	s29 =	simm.s32 $0x1;
	s0 =	sshll.u32 s0, $0x7;
	(pc) =	sbr.rel @p1 .LBB1_13-.Ltmp3, $4  }
0x67: {  	[dreg:$0xc] =	wrdreg s26;
	s28 =	sand.u32 $0x3FFFFF80, s0;
	s0 =	sand.u32 $0x1, s16  }
0x68: {  	_ =	swait.ge [sflag:s29], s28;
	s31 =	smul.u32 $0x4080, s0  }
0x69: {  	s30 =	ssub.s32 $0x0, s28;
	[sflag:s29] =	ssyncset.done $0x0  }
0x6a: {  	[sflag:s29] =	ssyncadd.s32 s30;
	[dreg:$0xe] =	wrdreg s31  }
.Ltmp4:
0x6b: {  	(pc) =	sbr.rel .LBB1_4-.Ltmp4, $3  }
0x6c: {  	_ =	sdelay $0x1  }
0x6d: {  	s26 =	sshll.u32 @!p0 s0, $0xE;
	s0 =	rddreg [dreg:$0xe]  }
0x6e: {  	s28 =	simm.s32 $0x0;
	s27 =	sor.u32 @!p0 $0x8000, s0  }
.LBB1_12:
0x6f: {  	s28 =	sadd.s32 $0x1, s28  }
0x70: {  	p0 =	sne.s32 s28, s23  }
.Ltmp5:
0x71: {  	_ = 	snop;
	(pc) =	sbr.rel @!p0 .LBB1_13-.Ltmp5, $1  }
0x72: {  	_ =	sdelay $0x3  }
.LBB1_4:
0x73: {  	s0 =	smul.u32 $0x10200, s28;
	_ =	sdelay $0x1  }
0x74: {  	s0 =	sshra.s32 s0, $0x2  }
0x75: {  	s29 =	sadd.s32 s0, s27  }
0x76: {  	s9 =	simm.s32 $0x0;
	s30 =	sadd.s32 $0x810, s29;
	s31 =	sadd.s32 $0x1020, s29  }
0x77: {  	s0 =	sadd.s32 $0x1830, s29;
	s1 =	sadd.s32 $0x2040, s29;
	s2 =	sadd.s32 $0x2850, s29  }
.LBB1_5:
0x78: {  	s3 =	sadd.s32 s28, s9  }
0x79: {  	s3 =	sshll.u32 s3, $0x10  }
0x7a: {  	s3 =	sshra.s32 s3, $0x2  }
0x7b: {  	s3 =	sadd.s32 s3, s26  }
0x7c: {  	v0 =	vmov s3;
	_ =	sdelay $0x2  }
0x7d: {  	s17 =	simm.s32 $0x0  }
0x7e: {  	p1 =	sne.s32 s25, $0x1;
	s21 =	sand.u32 $0x3F80, s17  }
.Ltmp6:
0x7f: {  	s22 =	sand.u32 $0x7, s9;
	v8 =	vld.idx.msk [tilespmem:v0+s21+$0x0 ss:$0x1], $0xffff;
	(pc) =	sbr.rel @!p1 .LBB1_6-.Ltmp6, $4  }
0x80: {  	s13 =	simm.s32 $0x1;
	s5 =	smul.u32 $0x81, s22;
	v9 =	vld.idx.msk [tilespmem:v0+s21+$0x10 ss:$0x1], $0xffff  }
0x81: {  	s18 =	simm.s32 $0x80;
	p0 =	por $0x0, $0x0;
	s17 =	sand.u32 $0x7F, s17;
	v10 =	vld.idx.msk [tilespmem:v0+s21+$0x20 ss:$0x1], $0xffff  }
0x82: {  	s6 =	sadd.s32 s5, s29;
	s7 =	sadd.s32 s5, s31;
	s8 =	sadd.s32 s5, s0;
	v11 =	vld.idx.msk [tilespmem:v0+s21+$0x30 ss:$0x1], $0xffff  }
0x83: {  	s4 =	sadd.s32 s5, s1;
	s3 =	sadd.s32 s5, s30;
	s5 =	sadd.s32 s5, s2;
	v7 =	vld.idx.msk [tilespmem:v0+s21+$0x40 ss:$0x1], $0xffff  }
0x84: {  	_ =	sdelay $0x3  }
0x85: {  	s20 =	sand.u32 $0x3F80, s18;
	s19 =	sadd.s32 s17, s6;
	v1 =	vld.idx.msk [tilespmem:v0+s21+$0x50 ss:$0x1], $0xffff;
	p1 =	sne.s32 s25, $0x2  }
.Ltmp7:
0x86: {  	s22 =	sadd.s32 s17, s3;
	v2 =	vld.idx.msk [tilespmem:v0+s20+$0x0 ss:$0x1], $0xffff;
	[tilespmem:s19+$0x0 ss:$0x81] =	vst.msk $0xffff, v8;
	(pc) =	sbr.rel @!p1 .LBB1_8-.Ltmp7, $4  }
0x87: {  	v3 =	vld.idx.msk [tilespmem:v0+s20+$0x10 ss:$0x1], $0xffff;
	[tilespmem:s22+$0x0 ss:$0x81] =	vst.msk $0xffff, v9;
	s19 =	sadd.s32 s17, s7  }
0x88: {  	v4 =	vld.idx.msk [tilespmem:v0+s20+$0x20 ss:$0x1], $0xffff;
	s22 =	sadd.s32 s17, s8;
	[tilespmem:s19+$0x0 ss:$0x81] =	vst.msk $0xffff, v10  }
0x89: {  	s21 =	simm.s32 $0x2;
	s18 =	sadd.s32 s17, s5;
	v5 =	vld.idx.msk [tilespmem:v0+s20+$0x30 ss:$0x1], $0xffff;
	s19 =	sadd.s32 s17, s4;
	[tilespmem:s22+$0x0 ss:$0x81] =	vst.msk $0xffff, v11  }
0x8a: {  	p0 =	por $0x1, $0x1;
	v6 =	vld.idx.msk [tilespmem:v0+s20+$0x40 ss:$0x1], $0xffff;
	s22 =	sand.u32 $0x7F, s13;
	s13 =	simm.s32 $0x100;
	[tilespmem:s19+$0x0 ss:$0x81] =	vst.msk $0xffff, v7  }
.LBB1_9:
0x8b: {  	s19 =	smov.u32 s21;
	s21 =	sadd.s32 $0x1, s21  }
0x8c: {  	s17 =	sadd.s32 s22, s6;
	[tilespmem:s18+$0x0 ss:$0x81] =	vst.msk $0xffff, v1;
	v1 =	vld.idx.msk [tilespmem:v0+s20+$0x50 ss:$0x1], $0xffff;
	s20 =	sand.u32 $0x3F80, s13;
	p1 =	sne.s32 s25, s21  }
.Ltmp8:
0x8d: {  	[tilespmem:s17+$0x0 ss:$0x81] =	vst.msk $0xffff, v2;
	v2 =	vld.idx.msk [tilespmem:v0+s20+$0x0 ss:$0x1], $0xffff;
	s17 =	sadd.s32 s22, s3;
	(pc) =	sbr.rel @p1 .LBB1_9-.Ltmp8, $4  }
0x8e: {  	[tilespmem:s17+$0x0 ss:$0x81] =	vst.msk $0xffff, v3;
	v3 =	vld.idx.msk [tilespmem:v0+s20+$0x10 ss:$0x1], $0xffff;
	s17 =	sadd.s32 s22, s7  }
0x8f: {  	[tilespmem:s17+$0x0 ss:$0x81] =	vst.msk $0xffff, v4;
	v4 =	vld.idx.msk [tilespmem:v0+s20+$0x20 ss:$0x1], $0xffff;
	s17 =	sadd.s32 s22, s8  }
0x90: {  	[tilespmem:s17+$0x0 ss:$0x81] =	vst.msk $0xffff, v5;
	v5 =	vld.idx.msk [tilespmem:v0+s20+$0x30 ss:$0x1], $0xffff;
	s17 =	sadd.s32 s22, s4  }
0x91: {  	s13 =	sadd.s32 $0x80, s13;
	s18 =	sadd.s32 s22, s5;
	s22 =	sand.u32 $0x7F, s19;
	[tilespmem:s17+$0x0 ss:$0x81] =	vst.msk $0xffff, v6;
	v6 =	vld.idx.msk [tilespmem:v0+s20+$0x40 ss:$0x1], $0xffff  }
0x92: {  	_ =	sdelay $0x3  }
0x93: {  	s17 =	smov.u32 s22;
	s21 =	smov.u32 s20;
	v8 =	vmovc v2;
	v9 =	vmovc v3;
	v10 =	vmov v4;
	v11 =	vmov v5;
	v7 =	vmov v6  }
.LBB1_11:
0x94: {  	_ =	sdelay $0x2  }
0x95: {  	s6 =	sadd.s32 s17, s6;
	[tilespmem:s18+$0x0 ss:$0x81] =	vst.msk @p0 $0xffff, v1;
	s9 =	sadd.s32 $0x1, s9  }
0x96: {  	v0 =	vld.idx.msk [tilespmem:v0+s21+$0x50 ss:$0x1], $0xffff;
	s3 =	sadd.s32 s17, s3;
	[tilespmem:s6+$0x0 ss:$0x81] =	vst.msk $0xffff, v8;
	p0 =	sne.s32 s9, s24  }
.Ltmp9:
0x97: {  	s19 =	sadd.s32 s17, s7;
	[tilespmem:s3+$0x0 ss:$0x81] =	vst.msk $0xffff, v9;
	(pc) =	sbr.rel @p0 .LBB1_5-.Ltmp9, $4  }
.Ltmp10:
0x98: {  	s20 =	sadd.s32 s17, s8;
	[tilespmem:s19+$0x0 ss:$0x81] =	vst.msk $0xffff, v10;
	(pc) =	sbr.rel @!p0 .LBB1_12-.Ltmp10, $4  }
0x99: {  	s21 =	sadd.s32 s17, s4;
	[tilespmem:s20+$0x0 ss:$0x81] =	vst.msk $0xffff, v11  }
0x9a: {  	s22 =	sadd.s32 s17, s5;
	[tilespmem:s21+$0x0 ss:$0x81] =	vst.msk $0xffff, v7  }
0x9b: {  	[tilespmem:s22+$0x0 ss:$0x81] =	vst.msk $0xffff, v0  }
0x9c: {  	_ = 	snop  }
.LBB1_6:
.Ltmp11:
0x9d: {  	(pc) =	sbr.rel .LBB1_11-.Ltmp11, $2  }
0x9e: {  	_ =	sdelay $0x2  }
0x9f: {  	_ = 	snop  }
.LBB1_8:
.Ltmp12:
0xa0: {  	_ = 	snop;
	(pc) =	sbr.rel .LBB1_11-.Ltmp12, $2  }
0xa1: {  	_ =	sdelay $0x2  }
0xa2: {  	s17 =	smov.u32 s22;
	s21 =	smov.u32 s20;
	v8 =	vmovc v2;
	v9 =	vmovc v3;
	v10 =	vmov v4;
	v11 =	vmov v5;
	v7 =	vmov v6  }
.LBB1_15:
0xa3: {  	_ =	sfence.sel $0x180000  }
0xa4: {  	s0 =	simm.s32 $0x1;
	[bflag:$0x0] =	sbarrier.arrive $0xFFFF  }
0xa5: {  	s30 =	simm.s32 $0x2;
	[sflag:s0] =	ssyncpa.u1 $0x1  }
0xa6: {  	[sflag:s30] =	ssyncpa.u1 $0x1  }
0xa7: {  	_ =	strace $0x90000047  }
0xa8: {  	s31 =	stileid.u32;
	[bflag:$0x2] =	sbarrier.arrive $0xFFFF  }
0xa9: {  	p0 =	sne.s32 s31, $0x0;
	s0 =	rddreg [dreg:$0x2]  }
0xaa: {  	s0 =	sadd.s32 @!p0 $0x100000, s0  }
0xab: {  	[sflag:s0] =	ssyncadd.tile.s32 @!p0 $0x1;
	_ =	shalt  }
.Lfunc_end1:
_tile_overlayer_lowered:
.L_overlay_start_2:
0xac: {  	(tag) =	ssettag $0x2  }
0xad: {  	s0 =	rddreg [dreg:$0x0];
	s2 =	stileid.u32  }
0xae: {  	s1 =	rddreg [dreg:$0x1];
	p0 =	sne.s32 s2, $0x0  }
0xaf: {  	s3 =	rddreg [dreg:$0x2];
	[bflag:$0x3] =	sbarrier.arrive $0xFFFF;
	s2 =	simm.s32 @!p0 $0x1C01  }
0xb0: {  	[timem:s3], [sflag:s2] =	dma.local @!p0 [hbm:s0], s1  }
0xb1: {  	s0 =	simm.s32 @!p0 $0x1  }
0xb2: {  	_ =	swait.ge @!p0 [sflag:s0], s1  }
0xb3: {  	s1 =	ssub.s32 @!p0 $0x0, s1;
	[sflag:s0] =	ssyncset.done @!p0 $0x0  }
0xb4: {  	[sflag:s0] =	ssyncadd.s32 @!p0 s1  }
0xb5: {  	[bflag:$0x3] =	sbarrier.arrive $0xFFFF  }
0xb6: {  	_ =	shalt  }

</sc_bundles>
